<compile_context>
chip_gen: v7x
topology: tpu7x:2x2x1
jax: 0.10.2.dev20260603
libtpu: 0.0.44.dev20260713+nightly
codegen_flags: <defaults>
</compile_context>

<pallas_src>
import functools

import jax
import jax.numpy as jnp
from jax import lax
from jax.experimental import pallas as pl
from jax.experimental.pallas import tpu as pltpu
from jax.experimental.pallas import tpu_sc as plsc

ROWS = 32768
COLS = 2048

NUM_CORES = 2
NUM_SUBCORES = 16
NUM_WORKERS = NUM_CORES * NUM_SUBCORES
ROWS_PER_WORKER = ROWS // NUM_WORKERS

CHUNK_ROWS = 8
N_CHUNKS = ROWS_PER_WORKER // CHUNK_ROWS
SPANS_PER_ROW = COLS // 32
SPANS_PER_CHUNK = CHUNK_ROWS * SPANS_PER_ROW

NBUF = 4


_mesh = plsc.VectorSubcoreMesh(core_axis_name="c", subcore_axis_name="s")


@functools.partial(
    pl.kernel,
    out_type=jax.ShapeDtypeStruct((ROWS, COLS), jnp.float32),
    mesh=_mesh,
    scratch_types=(
        [pltpu.VMEM((CHUNK_ROWS, COLS), jnp.float32)] * NBUF
        + [pltpu.SemaphoreType.DMA] * (2 * NBUF)
    ),
    compiler_params=pltpu.CompilerParams(needs_layout_passes=False),
)
def _group_sort_sc(x_hbm, o_hbm, *refs):
    buf = refs[:NBUF]
    s_in = refs[NBUF:2 * NBUF]
    s_out = refs[2 * NBUF:]

    wid = lax.axis_index("s") * NUM_CORES + lax.axis_index("c")
    w_row = wid * ROWS_PER_WORKER
    lane = lax.iota(jnp.int32, 16)
    even0 = lane * 2

    def start_in(g, p):
        pltpu.async_copy(
            x_hbm.at[pl.ds(w_row + g * CHUNK_ROWS, CHUNK_ROWS), :],
            buf[p], s_in[p])

    def wait_in(p):
        pltpu.make_async_copy(
            x_hbm.at[pl.ds(w_row, CHUNK_ROWS), :], buf[p], s_in[p]).wait()

    def start_out(g, p):
        pltpu.async_copy(
            buf[p],
            o_hbm.at[pl.ds(w_row + g * CHUNK_ROWS, CHUNK_ROWS), :], s_out[p])

    def wait_out(p):
        pltpu.make_async_copy(
            buf[p], o_hbm.at[pl.ds(w_row, CHUNK_ROWS), :], s_out[p]).wait()

    def compute(p):
        b = buf[p]

        @plsc.parallel_loop(0, SPANS_PER_CHUNK, unroll=8)
        def _(j):
            r = j >> 6
            jc = j & (SPANS_PER_ROW - 1)
            row_vec = jnp.full((16,), 0, jnp.int32) + r
            ce = even0 + jc * 32
            co = ce + 1
            va = plsc.load_gather(b, [row_vec, ce])
            vb = plsc.load_gather(b, [row_vec, co])
            plsc.store_scatter(b, [row_vec, ce], jnp.minimum(va, vb))
            plsc.store_scatter(b, [row_vec, co], jnp.maximum(va, vb))

    for p0 in range(NBUF - 1):
        start_in(p0, p0)

    def quad_body(gq, carry):
        for p in range(NBUF):
            g = gq * NBUF + p
            wait_in(p)
            compute(p)
            start_out(g, p)

            @pl.when(jnp.logical_and(g >= 1, g + 3 < N_CHUNKS))
            def _():
                wait_out((p + 3) % NBUF)

            @pl.when(g + 3 < N_CHUNKS)
            def _():
                start_in(g + 3, (p + 3) % NBUF)
        return carry

    lax.fori_loop(0, N_CHUNKS // NBUF, quad_body, 0)

    for p0 in range(NBUF):
        wait_out(p0)


def kernel(input):
    return _group_sort_sc(input)

# --- scband reference (transcript-rebuilt; emitter-appended) ---
"""Pipeline reference for scband-group-sort-72997264162989 (READ-ONLY COPY).

The authoritative reference and input builder live on the scoring server;
editing this copy changes nothing except your own understanding.
"""

import jax, jax.numpy as jnp
import numpy as np

GROUP_SIZE = 2
DESCENDING = False

def setup_inputs(seed: int = 0) -> dict:
    key = jax.random.key(seed)
    x = jax.random.normal(key, (32768, 2048), dtype=jnp.float32)
    return {"input": x}

def reference(input) -> jnp.ndarray:
    # GroupSort forward: reshape channels into groups of GROUP_SIZE, sort within group, reshape back
    in_shape = input.shape
    n_groups = in_shape[1] // GROUP_SIZE
    sort_shape = (-1, n_groups, GROUP_SIZE) + tuple(in_shape[2:])
    out = jnp.reshape(input, sort_shape)
    out = jnp.sort(out, axis=2)
    if DESCENDING:
        out = jnp.flip(out, axis=2)
    out = jnp.reshape(out, in_shape)
    return out

if __name__ == "__main__":
    import jax
    _d = setup_inputs()
    print(jax.jit(kernel)(*tuple(_d.values())))

</pallas_src>

<mosaic_0001>
#map = affine_map<(d0, d1) -> (0, 0)>
module attributes {stable_mosaic.version = 14 : i64} {
  func.func @_group_sort_sc(%arg0: i32, %arg1: i32, %arg2: memref<32768x2048xf32, #tpu.memory_space<hbm>>, %arg3: memref<32768x2048xf32, #tpu.memory_space<hbm>>, %arg4: memref<8x2048xf32, #tpu.memory_space<vmem>>, %arg5: memref<8x2048xf32, #tpu.memory_space<vmem>>, %arg6: memref<8x2048xf32, #tpu.memory_space<vmem>>, %arg7: memref<8x2048xf32, #tpu.memory_space<vmem>>, %arg8: memref<!tpu.dma_semaphore, #tpu.memory_space<semaphore_mem>>, %arg9: memref<!tpu.dma_semaphore, #tpu.memory_space<semaphore_mem>>, %arg10: memref<!tpu.dma_semaphore, #tpu.memory_space<semaphore_mem>>, %arg11: memref<!tpu.dma_semaphore, #tpu.memory_space<semaphore_mem>>, %arg12: memref<!tpu.dma_semaphore, #tpu.memory_space<semaphore_mem>>, %arg13: memref<!tpu.dma_semaphore, #tpu.memory_space<semaphore_mem>>, %arg14: memref<!tpu.dma_semaphore, #tpu.memory_space<semaphore_mem>>, %arg15: memref<!tpu.dma_semaphore, #tpu.memory_space<semaphore_mem>>) attributes {dimension_semantics = [#tpu.dimension_semantics<core_parallel>, #tpu.dimension_semantics<subcore_parallel>], iteration_bounds = array<i64: 2, 16>, scalar_prefetch = 0 : i64, scratch_operands = 12 : i64, tpu.core_type = #tpu.core_type<sc_vector_subcore>, window_params = [{transform_indices = #map}, {transform_indices = #map}]} {
    %mul3A = arith.constant 2 : i32
    %mul3A_0 = arith.muli %arg1, %mul3A : i32
    %add3A = arith.addi %mul3A_0, %arg0 : i32
    %mul3A_1 = arith.constant 1024 : i32
    %mul3A_2 = arith.muli %add3A, %mul3A_1 : i32
    %iota3A = tpu.iota {dimensions = array<i32: 0>} : vector<16xi32>
    %mul3A_3 = arith.constant 2 : i32
    %mul3A_4 = vector.broadcast %mul3A_3 : i32 to vector<16xi32>
    %mul3A_5 = arith.muli %iota3A, %mul3A_4 : vector<16xi32>
    %add3A_6 = arith.constant 0 : i32
    %add3A_7 = arith.addi %mul3A_2, %add3A_6 : i32
    %dma_start3A = arith.constant 0 : i32
    %dma_start3A_8 = tpu.memref_slice %arg2[%add3A_7, %dma_start3A] : memref<32768x2048xf32, #tpu.memory_space<hbm>> -> memref<8x2048xf32, #tpu.memory_space<hbm>>
    %dma_start3A_9 = arith.constant 0 : i32
    %dma_start3A_10 = tpu.memref_slice %arg2[%add3A_7, %dma_start3A_9] : memref<32768x2048xf32, #tpu.memory_space<hbm>> -> memref<8x2048xf32, #tpu.memory_space<hbm>>
    tpu.enqueue_dma source(%dma_start3A_10 : memref<8x2048xf32, #tpu.memory_space<hbm>>) target(%arg4 : memref<8x2048xf32, #tpu.memory_space<vmem>>) target_semaphore(%arg8 : memref<!tpu.dma_semaphore, #tpu.memory_space<semaphore_mem>>)
    %add3A_11 = arith.constant 8 : i32
    %add3A_12 = arith.addi %mul3A_2, %add3A_11 : i32
    %dma_start3A_13 = arith.constant 0 : i32
    %dma_start3A_14 = tpu.memref_slice %arg2[%add3A_12, %dma_start3A_13] : memref<32768x2048xf32, #tpu.memory_space<hbm>> -> memref<8x2048xf32, #tpu.memory_space<hbm>>
    %dma_start3A_15 = arith.constant 0 : i32
    %dma_start3A_16 = tpu.memref_slice %arg2[%add3A_12, %dma_start3A_15] : memref<32768x2048xf32, #tpu.memory_space<hbm>> -> memref<8x2048xf32, #tpu.memory_space<hbm>>
    tpu.enqueue_dma source(%dma_start3A_16 : memref<8x2048xf32, #tpu.memory_space<hbm>>) target(%arg5 : memref<8x2048xf32, #tpu.memory_space<vmem>>) target_semaphore(%arg9 : memref<!tpu.dma_semaphore, #tpu.memory_space<semaphore_mem>>)
    %add3A_17 = arith.constant 16 : i32
    %add3A_18 = arith.addi %mul3A_2, %add3A_17 : i32
    %dma_start3A_19 = arith.constant 0 : i32
    %dma_start3A_20 = tpu.memref_slice %arg2[%add3A_18, %dma_start3A_19] : memref<32768x2048xf32, #tpu.memory_space<hbm>> -> memref<8x2048xf32, #tpu.memory_space<hbm>>
    %dma_start3A_21 = arith.constant 0 : i32
    %dma_start3A_22 = tpu.memref_slice %arg2[%add3A_18, %dma_start3A_21] : memref<32768x2048xf32, #tpu.memory_space<hbm>> -> memref<8x2048xf32, #tpu.memory_space<hbm>>
    tpu.enqueue_dma source(%dma_start3A_22 : memref<8x2048xf32, #tpu.memory_space<hbm>>) target(%arg6 : memref<8x2048xf32, #tpu.memory_space<vmem>>) target_semaphore(%arg10 : memref<!tpu.dma_semaphore, #tpu.memory_space<semaphore_mem>>)
    %scan3A = arith.constant 0 : i32
    %scan3A_23 = arith.constant 0 : i32
    %scan3A_24 = arith.constant 32 : i32
    %scan3A_25 = arith.addi %scan3A_23, %scan3A_24 : i32
    %scan3A_26 = arith.constant 1 : i32
    scf.for %scan3A_43 = %scan3A_23 to %scan3A_25 step %scan3A_26  : i32 {
      %mul3A_44 = arith.constant 4 : i32
      %mul3A_45 = arith.muli %scan3A_43, %mul3A_44 : i32
      %add3A_46 = arith.constant 0 : i32
      %add3A_47 = arith.addi %mul3A_45, %add3A_46 : i32
      %dma_wait3A_48 = arith.constant 0 : i32
      %dma_wait3A_49 = tpu.memref_slice %arg2[%mul3A_2, %dma_wait3A_48] : memref<32768x2048xf32, #tpu.memory_space<hbm>> -> memref<8x2048xf32, #tpu.memory_space<hbm>>
      %dma_wait3A_50 = arith.constant 0 : i32
      %dma_wait3A_51 = tpu.memref_slice %arg2[%mul3A_2, %dma_wait3A_50] : memref<32768x2048xf32, #tpu.memory_space<hbm>> -> memref<8x2048xf32, #tpu.memory_space<hbm>>
      tpu.wait_dma2 semaphore(%arg8 : memref<!tpu.dma_semaphore, #tpu.memory_space<semaphore_mem>>) src(%dma_wait3A_51 : memref<8x2048xf32, #tpu.memory_space<hbm>>) dst(%arg4 : memref<8x2048xf32, #tpu.memory_space<vmem>>)
      %parallel_loop3A = arith.constant 0 : i32
      %parallel_loop3A_52 = arith.constant 512 : i32
      %parallel_loop3A_53 = arith.constant 1 : i32
      scf.for %parallel_loop3A_178 = %parallel_loop3A to %parallel_loop3A_52 step %parallel_loop3A_53  : i32 {
        %parallel_loop3A_179 = arith.constant 6 : i32
        %parallel_loop3A_180 = arith.shrsi %parallel_loop3A_178, %parallel_loop3A_179 : i32
        %parallel_loop3A_181 = arith.constant 63 : i32
        %parallel_loop3A_182 = arith.andi %parallel_loop3A_178, %parallel_loop3A_181 : i32
        %parallel_loop3A_183 = arith.constant 0 : i32
        %parallel_loop3A_184 = vector.broadcast %parallel_loop3A_183 : i32 to vector<16xi32>
        %parallel_loop3A_185 = vector.broadcast %parallel_loop3A_180 : i32 to vector<16xi32>
        %parallel_loop3A_186 = arith.addi %parallel_loop3A_184, %parallel_loop3A_185 : vector<16xi32>
        %parallel_loop3A_187 = arith.constant 32 : i32
        %parallel_loop3A_188 = arith.muli %parallel_loop3A_182, %parallel_loop3A_187 : i32
        %parallel_loop3A_189 = vector.broadcast %parallel_loop3A_188 : i32 to vector<16xi32>
        %parallel_loop3A_190 = arith.addi %mul3A_5, %parallel_loop3A_189 : vector<16xi32>
        %parallel_loop3A_191 = arith.constant 1 : i32
        %parallel_loop3A_192 = vector.broadcast %parallel_loop3A_191 : i32 to vector<16xi32>
        %parallel_loop3A_193 = arith.addi %parallel_loop3A_190, %parallel_loop3A_192 : vector<16xi32>
        %parallel_loop3A_194 = tpu.vector_load_idx %arg4[%parallel_loop3A_186, %parallel_loop3A_190] : memref<8x2048xf32, #tpu.memory_space<vmem>>[vector<16xi32>, vector<16xi32>], vector<16xf32>,
        %parallel_loop3A_195 = tpu.vector_load_idx %arg4[%parallel_loop3A_186, %parallel_loop3A_193] : memref<8x2048xf32, #tpu.memory_space<vmem>>[vector<16xi32>, vector<16xi32>], vector<16xf32>,
        %parallel_loop3A_196 = arith.minimumf %parallel_loop3A_194, %parallel_loop3A_195 : vector<16xf32>
        tpu.vector_store_idx %arg4[%parallel_loop3A_186, %parallel_loop3A_190], %parallel_loop3A_196 : memref<8x2048xf32, #tpu.memory_space<vmem>>[vector<16xi32>, vector<16xi32>], vector<16xf32>,
        %parallel_loop3A_197 = arith.maximumf %parallel_loop3A_194, %parallel_loop3A_195 : vector<16xf32>
        tpu.vector_store_idx %arg4[%parallel_loop3A_186, %parallel_loop3A_193], %parallel_loop3A_197 : memref<8x2048xf32, #tpu.memory_space<vmem>>[vector<16xi32>, vector<16xi32>], vector<16xf32>,
      } {sc.loop_unroll_factor = 8 : i64, sc.parallel_access}
      %mul3A_54 = arith.constant 8 : i32
      %mul3A_55 = arith.muli %add3A_47, %mul3A_54 : i32
      %add3A_56 = arith.addi %mul3A_2, %mul3A_55 : i32
      %dma_start3A_57 = arith.constant 0 : i32
      %dma_start3A_58 = tpu.memref_slice %arg3[%add3A_56, %dma_start3A_57] : memref<32768x2048xf32, #tpu.memory_space<hbm>> -> memref<8x2048xf32, #tpu.memory_space<hbm>>
      %dma_start3A_59 = arith.constant 0 : i32
      %dma_start3A_60 = tpu.memref_slice %arg3[%add3A_56, %dma_start3A_59] : memref<32768x2048xf32, #tpu.memory_space<hbm>> -> memref<8x2048xf32, #tpu.memory_space<hbm>>
      tpu.enqueue_dma source(%arg4 : memref<8x2048xf32, #tpu.memory_space<vmem>>) target(%dma_start3A_60 : memref<8x2048xf32, #tpu.memory_space<hbm>>) target_semaphore(%arg12 : memref<!tpu.dma_semaphore, #tpu.memory_space<semaphore_mem>>)
      %ge3A = arith.constant 1 : i32
      %ge3A_61 = arith.cmpi sge, %add3A_47, %ge3A : i32
      %add3A_62 = arith.constant 3 : i32
      %add3A_63 = arith.addi %add3A_47, %add3A_62 : i32
      %lt3A = arith.constant 128 : i32
      %lt3A_64 = arith.cmpi slt, %add3A_63, %lt3A : i32
      %and3A = arith.andi %ge3A_61, %lt3A_64 : i1
      %convert_element_type3A = arith.extui %and3A : i1 to i32
      %cond3A = arith.constant 0 : i32
      %cond3A_65 = arith.cmpi ne, %convert_element_type3A, %cond3A : i32
      scf.if %cond3A_65 {
        %dma_wait3A_178 = arith.constant 0 : i32
        %dma_wait3A_179 = tpu.memref_slice %arg3[%mul3A_2, %dma_wait3A_178] : memref<32768x2048xf32, #tpu.memory_space<hbm>> -> memref<8x2048xf32, #tpu.memory_space<hbm>>
        %dma_wait3A_180 = arith.constant 0 : i32
        %dma_wait3A_181 = tpu.memref_slice %arg3[%mul3A_2, %dma_wait3A_180] : memref<32768x2048xf32, #tpu.memory_space<hbm>> -> memref<8x2048xf32, #tpu.memory_space<hbm>>
        tpu.wait_dma2 semaphore(%arg15 : memref<!tpu.dma_semaphore, #tpu.memory_space<semaphore_mem>>) src(%arg7 : memref<8x2048xf32, #tpu.memory_space<vmem>>) dst(%dma_wait3A_181 : memref<8x2048xf32, #tpu.memory_space<hbm>>)
      } else {
      }
      %add3A_66 = arith.constant 3 : i32
      %add3A_67 = arith.addi %add3A_47, %add3A_66 : i32
      %lt3A_68 = arith.constant 128 : i32
      %lt3A_69 = arith.cmpi slt, %add3A_67, %lt3A_68 : i32
      %convert_element_type3A_70 = arith.extui %lt3A_69 : i1 to i32
      %cond3A_71 = arith.constant 0 : i32
      %cond3A_72 = arith.cmpi ne, %convert_element_type3A_70, %cond3A_71 : i32
      scf.if %cond3A_72 {
        %add3A_178 = arith.constant 3 : i32
        %add3A_179 = arith.addi %add3A_47, %add3A_178 : i32
        %mul3A_180 = arith.constant 8 : i32
        %mul3A_181 = arith.muli %add3A_179, %mul3A_180 : i32
        %add3A_182 = arith.addi %mul3A_2, %mul3A_181 : i32
        %dma_start3A_183 = arith.constant 0 : i32
        %dma_start3A_184 = tpu.memref_slice %arg2[%add3A_182, %dma_start3A_183] : memref<32768x2048xf32, #tpu.memory_space<hbm>> -> memref<8x2048xf32, #tpu.memory_space<hbm>>
        %dma_start3A_185 = arith.constant 0 : i32
        %dma_start3A_186 = tpu.memref_slice %arg2[%add3A_182, %dma_start3A_185] : memref<32768x2048xf32, #tpu.memory_space<hbm>> -> memref<8x2048xf32, #tpu.memory_space<hbm>>
        tpu.enqueue_dma source(%dma_start3A_186 : memref<8x2048xf32, #tpu.memory_space<hbm>>) target(%arg7 : memref<8x2048xf32, #tpu.memory_space<vmem>>) target_semaphore(%arg11 : memref<!tpu.dma_semaphore, #tpu.memory_space<semaphore_mem>>)
      } else {
      }
      %mul3A_73 = arith.constant 4 : i32
      %mul3A_74 = arith.muli %scan3A_43, %mul3A_73 : i32
      %add3A_75 = arith.constant 1 : i32
      %add3A_76 = arith.addi %mul3A_74, %add3A_75 : i32
      %dma_wait3A_77 = arith.constant 0 : i32
      %dma_wait3A_78 = tpu.memref_slice %arg2[%mul3A_2, %dma_wait3A_77] : memref<32768x2048xf32, #tpu.memory_space<hbm>> -> memref<8x2048xf32, #tpu.memory_space<hbm>>
      %dma_wait3A_79 = arith.constant 0 : i32
      %dma_wait3A_80 = tpu.memref_slice %arg2[%mul3A_2, %dma_wait3A_79] : memref<32768x2048xf32, #tpu.memory_space<hbm>> -> memref<8x2048xf32, #tpu.memory_space<hbm>>
      tpu.wait_dma2 semaphore(%arg9 : memref<!tpu.dma_semaphore, #tpu.memory_space<semaphore_mem>>) src(%dma_wait3A_80 : memref<8x2048xf32, #tpu.memory_space<hbm>>) dst(%arg5 : memref<8x2048xf32, #tpu.memory_space<vmem>>)
      %parallel_loop3A_81 = arith.constant 0 : i32
      %parallel_loop3A_82 = arith.constant 512 : i32
      %parallel_loop3A_83 = arith.constant 1 : i32
      scf.for %parallel_loop3A_178 = %parallel_loop3A_81 to %parallel_loop3A_82 step %parallel_loop3A_83  : i32 {
        %parallel_loop3A_179 = arith.constant 6 : i32
        %parallel_loop3A_180 = arith.shrsi %parallel_loop3A_178, %parallel_loop3A_179 : i32
        %parallel_loop3A_181 = arith.constant 63 : i32
        %parallel_loop3A_182 = arith.andi %parallel_loop3A_178, %parallel_loop3A_181 : i32
        %parallel_loop3A_183 = arith.constant 0 : i32
        %parallel_loop3A_184 = vector.broadcast %parallel_loop3A_183 : i32 to vector<16xi32>
        %parallel_loop3A_185 = vector.broadcast %parallel_loop3A_180 : i32 to vector<16xi32>
        %parallel_loop3A_186 = arith.addi %parallel_loop3A_184, %parallel_loop3A_185 : vector<16xi32>
        %parallel_loop3A_187 = arith.constant 32 : i32
        %parallel_loop3A_188 = arith.muli %parallel_loop3A_182, %parallel_loop3A_187 : i32
        %parallel_loop3A_189 = vector.broadcast %parallel_loop3A_188 : i32 to vector<16xi32>
        %parallel_loop3A_190 = arith.addi %mul3A_5, %parallel_loop3A_189 : vector<16xi32>
        %parallel_loop3A_191 = arith.constant 1 : i32
        %parallel_loop3A_192 = vector.broadcast %parallel_loop3A_191 : i32 to vector<16xi32>
        %parallel_loop3A_193 = arith.addi %parallel_loop3A_190, %parallel_loop3A_192 : vector<16xi32>
        %parallel_loop3A_194 = tpu.vector_load_idx %arg5[%parallel_loop3A_186, %parallel_loop3A_190] : memref<8x2048xf32, #tpu.memory_space<vmem>>[vector<16xi32>, vector<16xi32>], vector<16xf32>,
        %parallel_loop3A_195 = tpu.vector_load_idx %arg5[%parallel_loop3A_186, %parallel_loop3A_193] : memref<8x2048xf32, #tpu.memory_space<vmem>>[vector<16xi32>, vector<16xi32>], vector<16xf32>,
        %parallel_loop3A_196 = arith.minimumf %parallel_loop3A_194, %parallel_loop3A_195 : vector<16xf32>
        tpu.vector_store_idx %arg5[%parallel_loop3A_186, %parallel_loop3A_190], %parallel_loop3A_196 : memref<8x2048xf32, #tpu.memory_space<vmem>>[vector<16xi32>, vector<16xi32>], vector<16xf32>,
        %parallel_loop3A_197 = arith.maximumf %parallel_loop3A_194, %parallel_loop3A_195 : vector<16xf32>
        tpu.vector_store_idx %arg5[%parallel_loop3A_186, %parallel_loop3A_193], %parallel_loop3A_197 : memref<8x2048xf32, #tpu.memory_space<vmem>>[vector<16xi32>, vector<16xi32>], vector<16xf32>,
      } {sc.loop_unroll_factor = 8 : i64, sc.parallel_access}
      %mul3A_84 = arith.constant 8 : i32
      %mul3A_85 = arith.muli %add3A_76, %mul3A_84 : i32
      %add3A_86 = arith.addi %mul3A_2, %mul3A_85 : i32
      %dma_start3A_87 = arith.constant 0 : i32
      %dma_start3A_88 = tpu.memref_slice %arg3[%add3A_86, %dma_start3A_87] : memref<32768x2048xf32, #tpu.memory_space<hbm>> -> memref<8x2048xf32, #tpu.memory_space<hbm>>
      %dma_start3A_89 = arith.constant 0 : i32
      %dma_start3A_90 = tpu.memref_slice %arg3[%add3A_86, %dma_start3A_89] : memref<32768x2048xf32, #tpu.memory_space<hbm>> -> memref<8x2048xf32, #tpu.memory_space<hbm>>
      tpu.enqueue_dma source(%arg5 : memref<8x2048xf32, #tpu.memory_space<vmem>>) target(%dma_start3A_90 : memref<8x2048xf32, #tpu.memory_space<hbm>>) target_semaphore(%arg13 : memref<!tpu.dma_semaphore, #tpu.memory_space<semaphore_mem>>)
      %ge3A_91 = arith.constant 1 : i32
      %ge3A_92 = arith.cmpi sge, %add3A_76, %ge3A_91 : i32
      %add3A_93 = arith.constant 3 : i32
      %add3A_94 = arith.addi %add3A_76, %add3A_93 : i32
      %lt3A_95 = arith.constant 128 : i32
      %lt3A_96 = arith.cmpi slt, %add3A_94, %lt3A_95 : i32
      %and3A_97 = arith.andi %ge3A_92, %lt3A_96 : i1
      %convert_element_type3A_98 = arith.extui %and3A_97 : i1 to i32
      %cond3A_99 = arith.constant 0 : i32
      %cond3A_100 = arith.cmpi ne, %convert_element_type3A_98, %cond3A_99 : i32
      scf.if %cond3A_100 {
        %dma_wait3A_178 = arith.constant 0 : i32
        %dma_wait3A_179 = tpu.memref_slice %arg3[%mul3A_2, %dma_wait3A_178] : memref<32768x2048xf32, #tpu.memory_space<hbm>> -> memref<8x2048xf32, #tpu.memory_space<hbm>>
        %dma_wait3A_180 = arith.constant 0 : i32
        %dma_wait3A_181 = tpu.memref_slice %arg3[%mul3A_2, %dma_wait3A_180] : memref<32768x2048xf32, #tpu.memory_space<hbm>> -> memref<8x2048xf32, #tpu.memory_space<hbm>>
        tpu.wait_dma2 semaphore(%arg12 : memref<!tpu.dma_semaphore, #tpu.memory_space<semaphore_mem>>) src(%arg4 : memref<8x2048xf32, #tpu.memory_space<vmem>>) dst(%dma_wait3A_181 : memref<8x2048xf32, #tpu.memory_space<hbm>>)
      } else {
      }
      %add3A_101 = arith.constant 3 : i32
      %add3A_102 = arith.addi %add3A_76, %add3A_101 : i32
      %lt3A_103 = arith.constant 128 : i32
      %lt3A_104 = arith.cmpi slt, %add3A_102, %lt3A_103 : i32
      %convert_element_type3A_105 = arith.extui %lt3A_104 : i1 to i32
      %cond3A_106 = arith.constant 0 : i32
      %cond3A_107 = arith.cmpi ne, %convert_element_type3A_105, %cond3A_106 : i32
      scf.if %cond3A_107 {
        %add3A_178 = arith.constant 3 : i32
        %add3A_179 = arith.addi %add3A_76, %add3A_178 : i32
        %mul3A_180 = arith.constant 8 : i32
        %mul3A_181 = arith.muli %add3A_179, %mul3A_180 : i32
        %add3A_182 = arith.addi %mul3A_2, %mul3A_181 : i32
        %dma_start3A_183 = arith.constant 0 : i32
        %dma_start3A_184 = tpu.memref_slice %arg2[%add3A_182, %dma_start3A_183] : memref<32768x2048xf32, #tpu.memory_space<hbm>> -> memref<8x2048xf32, #tpu.memory_space<hbm>>
        %dma_start3A_185 = arith.constant 0 : i32
        %dma_start3A_186 = tpu.memref_slice %arg2[%add3A_182, %dma_start3A_185] : memref<32768x2048xf32, #tpu.memory_space<hbm>> -> memref<8x2048xf32, #tpu.memory_space<hbm>>
        tpu.enqueue_dma source(%dma_start3A_186 : memref<8x2048xf32, #tpu.memory_space<hbm>>) target(%arg4 : memref<8x2048xf32, #tpu.memory_space<vmem>>) target_semaphore(%arg8 : memref<!tpu.dma_semaphore, #tpu.memory_space<semaphore_mem>>)
      } else {
      }
      %mul3A_108 = arith.constant 4 : i32
      %mul3A_109 = arith.muli %scan3A_43, %mul3A_108 : i32
      %add3A_110 = arith.constant 2 : i32
      %add3A_111 = arith.addi %mul3A_109, %add3A_110 : i32
      %dma_wait3A_112 = arith.constant 0 : i32
      %dma_wait3A_113 = tpu.memref_slice %arg2[%mul3A_2, %dma_wait3A_112] : memref<32768x2048xf32, #tpu.memory_space<hbm>> -> memref<8x2048xf32, #tpu.memory_space<hbm>>
      %dma_wait3A_114 = arith.constant 0 : i32
      %dma_wait3A_115 = tpu.memref_slice %arg2[%mul3A_2, %dma_wait3A_114] : memref<32768x2048xf32, #tpu.memory_space<hbm>> -> memref<8x2048xf32, #tpu.memory_space<hbm>>
      tpu.wait_dma2 semaphore(%arg10 : memref<!tpu.dma_semaphore, #tpu.memory_space<semaphore_mem>>) src(%dma_wait3A_115 : memref<8x2048xf32, #tpu.memory_space<hbm>>) dst(%arg6 : memref<8x2048xf32, #tpu.memory_space<vmem>>)
      %parallel_loop3A_116 = arith.constant 0 : i32
      %parallel_loop3A_117 = arith.constant 512 : i32
      %parallel_loop3A_118 = arith.constant 1 : i32
      scf.for %parallel_loop3A_178 = %parallel_loop3A_116 to %parallel_loop3A_117 step %parallel_loop3A_118  : i32 {
        %parallel_loop3A_179 = arith.constant 6 : i32
        %parallel_loop3A_180 = arith.shrsi %parallel_loop3A_178, %parallel_loop3A_179 : i32
        %parallel_loop3A_181 = arith.constant 63 : i32
        %parallel_loop3A_182 = arith.andi %parallel_loop3A_178, %parallel_loop3A_181 : i32
        %parallel_loop3A_183 = arith.constant 0 : i32
        %parallel_loop3A_184 = vector.broadcast %parallel_loop3A_183 : i32 to vector<16xi32>
        %parallel_loop3A_185 = vector.broadcast %parallel_loop3A_180 : i32 to vector<16xi32>
        %parallel_loop3A_186 = arith.addi %parallel_loop3A_184, %parallel_loop3A_185 : vector<16xi32>
        %parallel_loop3A_187 = arith.constant 32 : i32
        %parallel_loop3A_188 = arith.muli %parallel_loop3A_182, %parallel_loop3A_187 : i32
        %parallel_loop3A_189 = vector.broadcast %parallel_loop3A_188 : i32 to vector<16xi32>
        %parallel_loop3A_190 = arith.addi %mul3A_5, %parallel_loop3A_189 : vector<16xi32>
        %parallel_loop3A_191 = arith.constant 1 : i32
        %parallel_loop3A_192 = vector.broadcast %parallel_loop3A_191 : i32 to vector<16xi32>
        %parallel_loop3A_193 = arith.addi %parallel_loop3A_190, %parallel_loop3A_192 : vector<16xi32>
        %parallel_loop3A_194 = tpu.vector_load_idx %arg6[%parallel_loop3A_186, %parallel_loop3A_190] : memref<8x2048xf32, #tpu.memory_space<vmem>>[vector<16xi32>, vector<16xi32>], vector<16xf32>,
        %parallel_loop3A_195 = tpu.vector_load_idx %arg6[%parallel_loop3A_186, %parallel_loop3A_193] : memref<8x2048xf32, #tpu.memory_space<vmem>>[vector<16xi32>, vector<16xi32>], vector<16xf32>,
        %parallel_loop3A_196 = arith.minimumf %parallel_loop3A_194, %parallel_loop3A_195 : vector<16xf32>
        tpu.vector_store_idx %arg6[%parallel_loop3A_186, %parallel_loop3A_190], %parallel_loop3A_196 : memref<8x2048xf32, #tpu.memory_space<vmem>>[vector<16xi32>, vector<16xi32>], vector<16xf32>,
        %parallel_loop3A_197 = arith.maximumf %parallel_loop3A_194, %parallel_loop3A_195 : vector<16xf32>
        tpu.vector_store_idx %arg6[%parallel_loop3A_186, %parallel_loop3A_193], %parallel_loop3A_197 : memref<8x2048xf32, #tpu.memory_space<vmem>>[vector<16xi32>, vector<16xi32>], vector<16xf32>,
      } {sc.loop_unroll_factor = 8 : i64, sc.parallel_access}
      %mul3A_119 = arith.constant 8 : i32
      %mul3A_120 = arith.muli %add3A_111, %mul3A_119 : i32
      %add3A_121 = arith.addi %mul3A_2, %mul3A_120 : i32
      %dma_start3A_122 = arith.constant 0 : i32
      %dma_start3A_123 = tpu.memref_slice %arg3[%add3A_121, %dma_start3A_122] : memref<32768x2048xf32, #tpu.memory_space<hbm>> -> memref<8x2048xf32, #tpu.memory_space<hbm>>
      %dma_start3A_124 = arith.constant 0 : i32
      %dma_start3A_125 = tpu.memref_slice %arg3[%add3A_121, %dma_start3A_124] : memref<32768x2048xf32, #tpu.memory_space<hbm>> -> memref<8x2048xf32, #tpu.memory_space<hbm>>
      tpu.enqueue_dma source(%arg6 : memref<8x2048xf32, #tpu.memory_space<vmem>>) target(%dma_start3A_125 : memref<8x2048xf32, #tpu.memory_space<hbm>>) target_semaphore(%arg14 : memref<!tpu.dma_semaphore, #tpu.memory_space<semaphore_mem>>)
      %ge3A_126 = arith.constant 1 : i32
      %ge3A_127 = arith.cmpi sge, %add3A_111, %ge3A_126 : i32
      %add3A_128 = arith.constant 3 : i32
      %add3A_129 = arith.addi %add3A_111, %add3A_128 : i32
      %lt3A_130 = arith.constant 128 : i32
      %lt3A_131 = arith.cmpi slt, %add3A_129, %lt3A_130 : i32
      %and3A_132 = arith.andi %ge3A_127, %lt3A_131 : i1
      %convert_element_type3A_133 = arith.extui %and3A_132 : i1 to i32
      %cond3A_134 = arith.constant 0 : i32
      %cond3A_135 = arith.cmpi ne, %convert_element_type3A_133, %cond3A_134 : i32
      scf.if %cond3A_135 {
        %dma_wait3A_178 = arith.constant 0 : i32
        %dma_wait3A_179 = tpu.memref_slice %arg3[%mul3A_2, %dma_wait3A_178] : memref<32768x2048xf32, #tpu.memory_space<hbm>> -> memref<8x2048xf32, #tpu.memory_space<hbm>>
        %dma_wait3A_180 = arith.constant 0 : i32
        %dma_wait3A_181 = tpu.memref_slice %arg3[%mul3A_2, %dma_wait3A_180] : memref<32768x2048xf32, #tpu.memory_space<hbm>> -> memref<8x2048xf32, #tpu.memory_space<hbm>>
        tpu.wait_dma2 semaphore(%arg13 : memref<!tpu.dma_semaphore, #tpu.memory_space<semaphore_mem>>) src(%arg5 : memref<8x2048xf32, #tpu.memory_space<vmem>>) dst(%dma_wait3A_181 : memref<8x2048xf32, #tpu.memory_space<hbm>>)
      } else {
      }
      %add3A_136 = arith.constant 3 : i32
      %add3A_137 = arith.addi %add3A_111, %add3A_136 : i32
      %lt3A_138 = arith.constant 128 : i32
      %lt3A_139 = arith.cmpi slt, %add3A_137, %lt3A_138 : i32
      %convert_element_type3A_140 = arith.extui %lt3A_139 : i1 to i32
      %cond3A_141 = arith.constant 0 : i32
      %cond3A_142 = arith.cmpi ne, %convert_element_type3A_140, %cond3A_141 : i32
      scf.if %cond3A_142 {
        %add3A_178 = arith.constant 3 : i32
        %add3A_179 = arith.addi %add3A_111, %add3A_178 : i32
        %mul3A_180 = arith.constant 8 : i32
        %mul3A_181 = arith.muli %add3A_179, %mul3A_180 : i32
        %add3A_182 = arith.addi %mul3A_2, %mul3A_181 : i32
        %dma_start3A_183 = arith.constant 0 : i32
        %dma_start3A_184 = tpu.memref_slice %arg2[%add3A_182, %dma_start3A_183] : memref<32768x2048xf32, #tpu.memory_space<hbm>> -> memref<8x2048xf32, #tpu.memory_space<hbm>>
        %dma_start3A_185 = arith.constant 0 : i32
        %dma_start3A_186 = tpu.memref_slice %arg2[%add3A_182, %dma_start3A_185] : memref<32768x2048xf32, #tpu.memory_space<hbm>> -> memref<8x2048xf32, #tpu.memory_space<hbm>>
        tpu.enqueue_dma source(%dma_start3A_186 : memref<8x2048xf32, #tpu.memory_space<hbm>>) target(%arg5 : memref<8x2048xf32, #tpu.memory_space<vmem>>) target_semaphore(%arg9 : memref<!tpu.dma_semaphore, #tpu.memory_space<semaphore_mem>>)
      } else {
      }
      %mul3A_143 = arith.constant 4 : i32
      %mul3A_144 = arith.muli %scan3A_43, %mul3A_143 : i32
      %add3A_145 = arith.constant 3 : i32
      %add3A_146 = arith.addi %mul3A_144, %add3A_145 : i32
      %dma_wait3A_147 = arith.constant 0 : i32
      %dma_wait3A_148 = tpu.memref_slice %arg2[%mul3A_2, %dma_wait3A_147] : memref<32768x2048xf32, #tpu.memory_space<hbm>> -> memref<8x2048xf32, #tpu.memory_space<hbm>>
      %dma_wait3A_149 = arith.constant 0 : i32
      %dma_wait3A_150 = tpu.memref_slice %arg2[%mul3A_2, %dma_wait3A_149] : memref<32768x2048xf32, #tpu.memory_space<hbm>> -> memref<8x2048xf32, #tpu.memory_space<hbm>>
      tpu.wait_dma2 semaphore(%arg11 : memref<!tpu.dma_semaphore, #tpu.memory_space<semaphore_mem>>) src(%dma_wait3A_150 : memref<8x2048xf32, #tpu.memory_space<hbm>>) dst(%arg7 : memref<8x2048xf32, #tpu.memory_space<vmem>>)
      %parallel_loop3A_151 = arith.constant 0 : i32
      %parallel_loop3A_152 = arith.constant 512 : i32
      %parallel_loop3A_153 = arith.constant 1 : i32
      scf.for %parallel_loop3A_178 = %parallel_loop3A_151 to %parallel_loop3A_152 step %parallel_loop3A_153  : i32 {
        %parallel_loop3A_179 = arith.constant 6 : i32
        %parallel_loop3A_180 = arith.shrsi %parallel_loop3A_178, %parallel_loop3A_179 : i32
        %parallel_loop3A_181 = arith.constant 63 : i32
        %parallel_loop3A_182 = arith.andi %parallel_loop3A_178, %parallel_loop3A_181 : i32
        %parallel_loop3A_183 = arith.constant 0 : i32
        %parallel_loop3A_184 = vector.broadcast %parallel_loop3A_183 : i32 to vector<16xi32>
        %parallel_loop3A_185 = vector.broadcast %parallel_loop3A_180 : i32 to vector<16xi32>
        %parallel_loop3A_186 = arith.addi %parallel_loop3A_184, %parallel_loop3A_185 : vector<16xi32>
        %parallel_loop3A_187 = arith.constant 32 : i32
        %parallel_loop3A_188 = arith.muli %parallel_loop3A_182, %parallel_loop3A_187 : i32
        %parallel_loop3A_189 = vector.broadcast %parallel_loop3A_188 : i32 to vector<16xi32>
        %parallel_loop3A_190 = arith.addi %mul3A_5, %parallel_loop3A_189 : vector<16xi32>
        %parallel_loop3A_191 = arith.constant 1 : i32
        %parallel_loop3A_192 = vector.broadcast %parallel_loop3A_191 : i32 to vector<16xi32>
        %parallel_loop3A_193 = arith.addi %parallel_loop3A_190, %parallel_loop3A_192 : vector<16xi32>
        %parallel_loop3A_194 = tpu.vector_load_idx %arg7[%parallel_loop3A_186, %parallel_loop3A_190] : memref<8x2048xf32, #tpu.memory_space<vmem>>[vector<16xi32>, vector<16xi32>], vector<16xf32>,
        %parallel_loop3A_195 = tpu.vector_load_idx %arg7[%parallel_loop3A_186, %parallel_loop3A_193] : memref<8x2048xf32, #tpu.memory_space<vmem>>[vector<16xi32>, vector<16xi32>], vector<16xf32>,
        %parallel_loop3A_196 = arith.minimumf %parallel_loop3A_194, %parallel_loop3A_195 : vector<16xf32>
        tpu.vector_store_idx %arg7[%parallel_loop3A_186, %parallel_loop3A_190], %parallel_loop3A_196 : memref<8x2048xf32, #tpu.memory_space<vmem>>[vector<16xi32>, vector<16xi32>], vector<16xf32>,
        %parallel_loop3A_197 = arith.maximumf %parallel_loop3A_194, %parallel_loop3A_195 : vector<16xf32>
        tpu.vector_store_idx %arg7[%parallel_loop3A_186, %parallel_loop3A_193], %parallel_loop3A_197 : memref<8x2048xf32, #tpu.memory_space<vmem>>[vector<16xi32>, vector<16xi32>], vector<16xf32>,
      } {sc.loop_unroll_factor = 8 : i64, sc.parallel_access}
      %mul3A_154 = arith.constant 8 : i32
      %mul3A_155 = arith.muli %add3A_146, %mul3A_154 : i32
      %add3A_156 = arith.addi %mul3A_2, %mul3A_155 : i32
      %dma_start3A_157 = arith.constant 0 : i32
      %dma_start3A_158 = tpu.memref_slice %arg3[%add3A_156, %dma_start3A_157] : memref<32768x2048xf32, #tpu.memory_space<hbm>> -> memref<8x2048xf32, #tpu.memory_space<hbm>>
      %dma_start3A_159 = arith.constant 0 : i32
      %dma_start3A_160 = tpu.memref_slice %arg3[%add3A_156, %dma_start3A_159] : memref<32768x2048xf32, #tpu.memory_space<hbm>> -> memref<8x2048xf32, #tpu.memory_space<hbm>>
      tpu.enqueue_dma source(%arg7 : memref<8x2048xf32, #tpu.memory_space<vmem>>) target(%dma_start3A_160 : memref<8x2048xf32, #tpu.memory_space<hbm>>) target_semaphore(%arg15 : memref<!tpu.dma_semaphore, #tpu.memory_space<semaphore_mem>>)
      %ge3A_161 = arith.constant 1 : i32
      %ge3A_162 = arith.cmpi sge, %add3A_146, %ge3A_161 : i32
      %add3A_163 = arith.constant 3 : i32
      %add3A_164 = arith.addi %add3A_146, %add3A_163 : i32
      %lt3A_165 = arith.constant 128 : i32
      %lt3A_166 = arith.cmpi slt, %add3A_164, %lt3A_165 : i32
      %and3A_167 = arith.andi %ge3A_162, %lt3A_166 : i1
      %convert_element_type3A_168 = arith.extui %and3A_167 : i1 to i32
      %cond3A_169 = arith.constant 0 : i32
      %cond3A_170 = arith.cmpi ne, %convert_element_type3A_168, %cond3A_169 : i32
      scf.if %cond3A_170 {
        %dma_wait3A_178 = arith.constant 0 : i32
        %dma_wait3A_179 = tpu.memref_slice %arg3[%mul3A_2, %dma_wait3A_178] : memref<32768x2048xf32, #tpu.memory_space<hbm>> -> memref<8x2048xf32, #tpu.memory_space<hbm>>
        %dma_wait3A_180 = arith.constant 0 : i32
        %dma_wait3A_181 = tpu.memref_slice %arg3[%mul3A_2, %dma_wait3A_180] : memref<32768x2048xf32, #tpu.memory_space<hbm>> -> memref<8x2048xf32, #tpu.memory_space<hbm>>
        tpu.wait_dma2 semaphore(%arg14 : memref<!tpu.dma_semaphore, #tpu.memory_space<semaphore_mem>>) src(%arg6 : memref<8x2048xf32, #tpu.memory_space<vmem>>) dst(%dma_wait3A_181 : memref<8x2048xf32, #tpu.memory_space<hbm>>)
      } else {
      }
      %add3A_171 = arith.constant 3 : i32
      %add3A_172 = arith.addi %add3A_146, %add3A_171 : i32
      %lt3A_173 = arith.constant 128 : i32
      %lt3A_174 = arith.cmpi slt, %add3A_172, %lt3A_173 : i32
      %convert_element_type3A_175 = arith.extui %lt3A_174 : i1 to i32
      %cond3A_176 = arith.constant 0 : i32
      %cond3A_177 = arith.cmpi ne, %convert_element_type3A_175, %cond3A_176 : i32
      scf.if %cond3A_177 {
        %add3A_178 = arith.constant 3 : i32
        %add3A_179 = arith.addi %add3A_146, %add3A_178 : i32
        %mul3A_180 = arith.constant 8 : i32
        %mul3A_181 = arith.muli %add3A_179, %mul3A_180 : i32
        %add3A_182 = arith.addi %mul3A_2, %mul3A_181 : i32
        %dma_start3A_183 = arith.constant 0 : i32
        %dma_start3A_184 = tpu.memref_slice %arg2[%add3A_182, %dma_start3A_183] : memref<32768x2048xf32, #tpu.memory_space<hbm>> -> memref<8x2048xf32, #tpu.memory_space<hbm>>
        %dma_start3A_185 = arith.constant 0 : i32
        %dma_start3A_186 = tpu.memref_slice %arg2[%add3A_182, %dma_start3A_185] : memref<32768x2048xf32, #tpu.memory_space<hbm>> -> memref<8x2048xf32, #tpu.memory_space<hbm>>
        tpu.enqueue_dma source(%dma_start3A_186 : memref<8x2048xf32, #tpu.memory_space<hbm>>) target(%arg6 : memref<8x2048xf32, #tpu.memory_space<vmem>>) target_semaphore(%arg10 : memref<!tpu.dma_semaphore, #tpu.memory_space<semaphore_mem>>)
      } else {
      }
    }
    %scan3A_27 = arith.constant 32 : i32
    %dma_wait3A = arith.constant 0 : i32
    %dma_wait3A_28 = tpu.memref_slice %arg3[%mul3A_2, %dma_wait3A] : memref<32768x2048xf32, #tpu.memory_space<hbm>> -> memref<8x2048xf32, #tpu.memory_space<hbm>>
    %dma_wait3A_29 = arith.constant 0 : i32
    %dma_wait3A_30 = tpu.memref_slice %arg3[%mul3A_2, %dma_wait3A_29] : memref<32768x2048xf32, #tpu.memory_space<hbm>> -> memref<8x2048xf32, #tpu.memory_space<hbm>>
    tpu.wait_dma2 semaphore(%arg12 : memref<!tpu.dma_semaphore, #tpu.memory_space<semaphore_mem>>) src(%arg4 : memref<8x2048xf32, #tpu.memory_space<vmem>>) dst(%dma_wait3A_30 : memref<8x2048xf32, #tpu.memory_space<hbm>>)
    %dma_wait3A_31 = arith.constant 0 : i32
    %dma_wait3A_32 = tpu.memref_slice %arg3[%mul3A_2, %dma_wait3A_31] : memref<32768x2048xf32, #tpu.memory_space<hbm>> -> memref<8x2048xf32, #tpu.memory_space<hbm>>
    %dma_wait3A_33 = arith.constant 0 : i32
    %dma_wait3A_34 = tpu.memref_slice %arg3[%mul3A_2, %dma_wait3A_33] : memref<32768x2048xf32, #tpu.memory_space<hbm>> -> memref<8x2048xf32, #tpu.memory_space<hbm>>
    tpu.wait_dma2 semaphore(%arg13 : memref<!tpu.dma_semaphore, #tpu.memory_space<semaphore_mem>>) src(%arg5 : memref<8x2048xf32, #tpu.memory_space<vmem>>) dst(%dma_wait3A_34 : memref<8x2048xf32, #tpu.memory_space<hbm>>)
    %dma_wait3A_35 = arith.constant 0 : i32
    %dma_wait3A_36 = tpu.memref_slice %arg3[%mul3A_2, %dma_wait3A_35] : memref<32768x2048xf32, #tpu.memory_space<hbm>> -> memref<8x2048xf32, #tpu.memory_space<hbm>>
    %dma_wait3A_37 = arith.constant 0 : i32
    %dma_wait3A_38 = tpu.memref_slice %arg3[%mul3A_2, %dma_wait3A_37] : memref<32768x2048xf32, #tpu.memory_space<hbm>> -> memref<8x2048xf32, #tpu.memory_space<hbm>>
    tpu.wait_dma2 semaphore(%arg14 : memref<!tpu.dma_semaphore, #tpu.memory_space<semaphore_mem>>) src(%arg6 : memref<8x2048xf32, #tpu.memory_space<vmem>>) dst(%dma_wait3A_38 : memref<8x2048xf32, #tpu.memory_space<hbm>>)
    %dma_wait3A_39 = arith.constant 0 : i32
    %dma_wait3A_40 = tpu.memref_slice %arg3[%mul3A_2, %dma_wait3A_39] : memref<32768x2048xf32, #tpu.memory_space<hbm>> -> memref<8x2048xf32, #tpu.memory_space<hbm>>
    %dma_wait3A_41 = arith.constant 0 : i32
    %dma_wait3A_42 = tpu.memref_slice %arg3[%mul3A_2, %dma_wait3A_41] : memref<32768x2048xf32, #tpu.memory_space<hbm>> -> memref<8x2048xf32, #tpu.memory_space<hbm>>
    tpu.wait_dma2 semaphore(%arg15 : memref<!tpu.dma_semaphore, #tpu.memory_space<semaphore_mem>>) src(%arg7 : memref<8x2048xf32, #tpu.memory_space<vmem>>) dst(%dma_wait3A_42 : memref<8x2048xf32, #tpu.memory_space<hbm>>)
    return
  }
}

</mosaic_0001>

<sc_bundles>
// kernel: kernel.3.cloned.1.call-start
scs
__scs_entry_jumppad:
0x0: {  	(pc) =	sbr.rel $0x88, $3  }
0x1: {  	(tag) =	ssettag $0x0;
	lr =	simm.s32 $0x1  }
0x2: {  	[smem:$0x3FA0] =	sst lr;
	_ =	strace $0xD0000000  }
0x3: {  	_ = 	snop  }
0x4: {  	_ = 	snop  }
0x5: {  	_ = 	snop  }
0x6: {  	_ = 	snop  }
0x7: {  	_ = 	snop  }
__scs_overlays_trampoline_lowered:
0x8: {  	[smem:$0x3FAF] =	sst s0  }
0x9: {  	[smem:$0x3FB0] =	sst s1  }
0xa: {  	[smem:$0x3FB1] =	sst s2  }
0xb: {  	[smem:$0x3FB2] =	sst s3  }
0xc: {  	[smem:$0x3FB3] =	sst s4  }
0xd: {  	[smem:$0x3FB4] =	sst s5  }
0xe: {  	[smem:$0x3FB5] =	sst s6  }
0xf: {  	[smem:$0x3FB6] =	sst s7  }
0x10: {  	[smem:$0x3FB7] =	sst s8  }
0x11: {  	[smem:$0x3FB8] =	sst s9;
	s0 =	simm.s32 @!p0 $0x0  }
0x12: {  	s1 =	sld [smem:$0x3F9E];
	s0 =	simm.s32 @p0 $0x1  }
0x13: {  	[smem:$0x3FB9] =	sst s0;
	s0 =	simm.s32 @!p1 $0x0  }
0x14: {  	s2 =	sld [smem:$0x3F9D];
	s0 =	simm.s32 @p1 $0x1  }
0x15: {  	[smem:$0x3FBA] =	sst s0;
	s0 =	simm.s32 @!p2 $0x0  }
0x16: {  	s3 =	sld [smem:$0x3FDB];
	s0 =	simm.s32 @p2 $0x1  }
0x17: {  	s4 =	simm.s32 $0x1BF5;
	[smem:$0x3FBC] =	sst s0  }
0x18: {  	s0 =	sld [smem:$0x3F9F];
	_ =	swait.ge [sflag:s4], $0x0  }
0x19: {  	s7 =	sld [smem:$0x3FA0]  }
0x1a: {  	s8 =	sadd.s32 $0xFFFFE003, lr  }
0x1b: {  	s9 =	sadd.s32 $0xFFFFFEF7, lr;
	s5 =	simm.s32 $0xFFFFFFFF;
	p2 =	slt.u32 s8, $0xFFFFF086  }
0x1c: {  	p1 =	slt.u32 s9, $0xF7A;
	s5 =	simm.s32 @!p2 $0x0  }
0x1d: {  	s5 =	simm.s32 @p1 $0x1;
	p0 =	seq.s32 s7, s2  }
0x1e: {  	s7 =	smul.u32 @!p0 $0xF7A, s2;
	p2 =	seq.s32 @!p0 s5, $0x0  }
0x1f: {  	s9 =	smul.u32 $0xF7A, s1;
	s8 =	simm.s32 @!p0 $0x1BF5;
	p2 =	por !p2, p0  }
0x20: {  	[sflag:s8] =	ssyncset.s32 @!p0 $0xFFFFF086;
	s6 =	sadd.s32 @!p0 s3, s7;
	s7 =	simm.s32 @!p0 $0x108  }
0x21: {  	s3 =	sadd.s32 s3, s9;
	s6 =	sadd.s32 @!p0 $0x88, s6;
	s7 =	simm.s32 @p2 $0x1082  }
0x22: {  	[simem:s7], [sflag:s8] =	dma.local @!p0 [hbm:s6], $0xF7A  }
0x23: {  	s9 =	sor.u32 $0xD0000000, s2;
	s6 =	simm.s32 $0x108;
	_ =	swait.ge @!p0 [sflag:s8], $0x0  }
0x24: {  	s3 =	sadd.s32 $0x88, s3;
	s6 =	simm.s32 @!p1 $0x1082;
	[sflag:s4] =	ssyncset.s32 $0xFFFFF086  }
0x25: {  	[simem:s6], [sflag:s4] =	dma.local [hbm:s3], $0xF7A  }
0x26: {  	[smem:$0x3FA0] =	sst s1;
	(tag) =	ssettag s2;
	_ =	strace s9  }
0x27: {  	s1 =	sld [smem:$0x3FB0]  }
0x28: {  	s2 =	sld [smem:$0x3FB1]  }
0x29: {  	s4 =	sld [smem:$0x3FB3]  }
0x2a: {  	p0 =	seq.s32 s5, $0x0;
	s5 =	sld [smem:$0x3FB4]  }
0x2b: {  	s6 =	sld [smem:$0x3FB5]  }
0x2c: {  	s7 =	sld [smem:$0x3FB6]  }
0x2d: {  	s3 =	simm.s32 $0x108;
	s8 =	sld [smem:$0x3FB7]  }
0x2e: {  	s3 =	simm.s32 @!p0 $0x1082;
	s9 =	sld [smem:$0x3FB8]  }
0x2f: {  	lr =	sadd.s32 s0, s3;
	s0 =	sld [smem:$0x3FAF]  }
0x30: {  	s3 =	sld [smem:$0x3FB2]  }
0x31: {  	[smem:$0x3FBB] =	sst s10  }
0x32: {  	s10 =	sld [smem:$0x3FB9];
	_ =	sdelay $0x3  }
0x33: {  	p0 =	seq.s32 s10, $0x1;
	s10 =	sld [smem:$0x3FBB];
	_ =	sdelay $0x3  }
0x34: {  	[smem:$0x3FBB] =	sst s10  }
0x35: {  	s10 =	sld [smem:$0x3FBA];
	_ =	sdelay $0x3  }
0x36: {  	p1 =	seq.s32 s10, $0x1;
	s10 =	sld [smem:$0x3FBB];
	_ =	sdelay $0x3  }
0x37: {  	[smem:$0x3FBB] =	sst s10  }
0x38: {  	s10 =	sld [smem:$0x3FBC]  }
0x39: {  	_ = 	snop;
	(pc) =	sbr.ind lr, $3  }
0x3a: {  	_ = 	snop  }
0x3b: {  	_ = 	snop  }
0x3c: {  	p2 =	seq.s32 s10, $0x1;
	s10 =	sld [smem:$0x3FBB]  }
0x3d: {  	_ =	shalt  }
0x3e: {  	_ =	shalt  }
0x3f: {  	_ =	shalt  }
0x40: {  	_ =	shalt  }
0x41: {  	_ =	shalt  }
0x42: {  	_ =	shalt  }
0x43: {  	_ =	shalt  }
0x44: {  	_ =	shalt  }
0x45: {  	_ =	shalt  }
0x46: {  	_ =	shalt  }
0x47: {  	_ =	shalt  }
0x48: {  	_ =	shalt  }
0x49: {  	_ =	shalt  }
0x4a: {  	_ =	shalt  }
0x4b: {  	_ =	shalt  }
0x4c: {  	_ =	shalt  }
0x4d: {  	_ =	shalt  }
0x4e: {  	_ =	shalt  }
0x4f: {  	_ =	shalt  }
0x50: {  	_ =	shalt  }
0x51: {  	_ =	shalt  }
0x52: {  	_ =	shalt  }
0x53: {  	_ =	shalt  }
0x54: {  	_ =	shalt  }
0x55: {  	_ =	shalt  }
0x56: {  	_ =	shalt  }
0x57: {  	_ =	shalt  }
0x58: {  	_ =	shalt  }
0x59: {  	_ =	shalt  }
0x5a: {  	_ =	shalt  }
0x5b: {  	_ =	shalt  }
0x5c: {  	_ =	shalt  }
0x5d: {  	_ =	shalt  }
0x5e: {  	_ =	shalt  }
0x5f: {  	_ =	shalt  }
0x60: {  	_ =	shalt  }
0x61: {  	_ =	shalt  }
0x62: {  	_ =	shalt  }
0x63: {  	_ =	shalt  }
0x64: {  	_ =	shalt  }
0x65: {  	_ =	shalt  }
0x66: {  	_ =	shalt  }
0x67: {  	_ =	shalt  }
0x68: {  	_ =	shalt  }
0x69: {  	_ =	shalt  }
0x6a: {  	_ =	shalt  }
0x6b: {  	_ =	shalt  }
0x6c: {  	_ =	shalt  }
0x6d: {  	_ =	shalt  }
0x6e: {  	_ =	shalt  }
0x6f: {  	_ =	shalt  }
0x70: {  	_ =	shalt  }
0x71: {  	_ =	shalt  }
0x72: {  	_ =	shalt  }
0x73: {  	_ =	shalt  }
0x74: {  	_ =	shalt  }
0x75: {  	_ =	shalt  }
0x76: {  	_ =	shalt  }
0x77: {  	_ =	shalt  }
0x78: {  	_ =	shalt  }
0x79: {  	_ =	shalt  }
0x7a: {  	_ =	shalt  }
0x7b: {  	_ =	shalt  }
0x7c: {  	_ =	shalt  }
0x7d: {  	_ =	shalt  }
0x7e: {  	_ =	shalt  }
0x7f: {  	_ =	shalt  }
0x80: {  	_ =	shalt  }
0x81: {  	_ =	shalt  }
0x82: {  	_ =	shalt  }
0x83: {  	_ =	shalt  }
0x84: {  	_ =	shalt  }
0x85: {  	_ =	shalt  }
0x86: {  	_ =	shalt  }
0x87: {  	_ =	shalt  }
.Lfunc_end0:
.L_simem_size_0:
called_computation_lowered:
.L_overlay_start_0:
0x88: {  	s2 =	sld [smem:$0x3FD9]  }
0x89: {  	s3 =	sld [smem:$0x3FFE];
	_ =	sdelay $0x1  }
0x8a: {  	s1 =	srdreg.scid  }
0x8b: {  	s0 =	sand.u32 $0x1, s1  }
0x8c: {  	s18 =	sshll.u32 s0, $0xA;
	s2 =	sadd.s32 s3, s2  }
0x8d: {  	s2 =	sadd.s32 s2, s18  }
0x8e: {  	[smem:$0x3FC7] =	sst s2  }
0x8f: {  	_ = 	snop  }
0x90: {  	s2 =	sld [smem:$0x3FC9]  }
0x91: {  	s19 =	sld [smem:$0x3FD0];
	(tm) =	ssettm $0x1  }
0x92: {  	s4 =	sld [smem:$0x3FFB];
	_ =	sdelay $0x3  }
0x93: {  	_ =	strace s4  }
0x94: {  	s4 =	sld [smem:$0x3FFC];
	_ =	sdelay $0x3  }
0x95: {  	_ =	strace s4  }
0x96: {  	s4 =	sld [smem:$0x3FFD];
	_ =	sdelay $0x3  }
0x97: {  	_ =	strace s4  }
0x98: {  	_ =	strace $0x8FFFFFFF  }
0x99: {  	s20 =	sld [smem:$0x3FDB];
	_ =	sdelay $0x1  }
0x9a: {  	s5 =	simm.s32 $_scs_section_size  }
0x9b: {  	s6 =	simm.s32 $_size__tile_overlayer_lowered;
	s7 =	simm.s32 $_tile_overlayer_lowered  }
0x9c: {  	s23 =	simm.s32 $0x1BFF;
	s22 =	sshll.u32 s7, $0x1;
	s4 =	sadd.s32 s5, s20  }
0x9d: {  	s8 =	simm.s32 $0x0;
	s21 =	sshll.u32 s6, $0x1;
	s6 =	sadd.s32 s22, s4  }
0x9e: {  	[timem:s8], [sflag:s23] =	dma.local [hbm:s6], s21  }
0x9f: {  	_ =	swait.ge [sflag:s23], s21  }
0xa0: {  	s5 =	ssub.s32 $0x0, s21;
	[sflag:s23] =	ssyncset.done $0x0  }
0xa1: {  	[sflag:s23] =	ssyncadd.s32 s5;
	_ =	sdelay $0x1  }
0xa2: {  	s24 =	simm.s32 $0x1B8B  }
0xa3: {  	_ =	swait.ge [sflag:s24], $0x1  }
0xa4: {  	[sflag:s24] =	ssyncset.done $0x0  }
0xa5: {  	s25 =	simm.s32 $0x1B8E;
	[sflag:s24] =	ssyncadd.s32 $0xFFFFFFFF  }
0xa6: {  	s26 =	simm.s32 $execute0_lowered;
	[smem:$0x3FD2] =	sst s25  }
0xa7: {  	s5 =	sshll.u32 s26, $0x1;
	_ =	strace $0x80000046;
	[dreg:$0x1] =	wrdreg $0xFFFFFFFF  }
0xa8: {  	s28 =	simm.s32 $_size_execute0_lowered;
	s4 =	sadd.s32 s4, s5;
	[dreg:$0x0] =	wrdreg $0x0  }
0xa9: {  	s5 =	sshll.u32 s28, $0x1;
	[dreg:$0x2] =	wrdreg s4  }
0xaa: {  	[dreg:$0x3] =	wrdreg s5  }
0xab: {  	[dreg:$0x4] =	wrdreg $0xC0  }
0xac: {  	_ =	task [dreg:s8], $0x5FFFF  }
0xad: {  	[dreg:$0x1] =	wrdreg $0xFFFFFFFF  }
0xae: {  	[dreg:$0x0] =	wrdreg $0x60  }
0xaf: {  	[dreg:$0x2] =	wrdreg s2  }
0xb0: {  	[dreg:$0x3] =	wrdreg s19  }
0xb1: {  	[dreg:$0x4] =	wrdreg $0x9  }
0xb2: {  	_ =	task.clear_ibuf [dreg:s8], $0x5FFFF;
	_ =	strace $0x90000046  }
0xb3: {  	s29 =	simm.s32 $0x9;
	_ =	strace $0x80000048  }
0xb4: {  	_ =	swait.ge [sflag:s29], $0x1  }
0xb5: {  	[sflag:s29] =	ssyncadd.s32 $0xFFFFFFFF  }
0xb6: {  	_ =	strace $0x90000048  }
0xb7: {  	_ =	sfence  }
0xb8: {  	s30 =	sld [smem:$0x0];
	_ =	sdelay $0x2  }
0xb9: {  	s31 =	sshll.u32 s1, $0xD;
	s1 =	sshrl.u32 s1, $0x2  }
0xba: {  	s3 =	sand.u32 $0x4000, s31;
	s1 =	sadd.s32 s1, s30  }
0xbb: {  	s0 =	sor.u32 s3, s0;
	s1 =	sshll.u32 s1, $0x11  }
0xbc: {  	s0 =	sor.u32 s1, s0  }
0xbd: {  	s0 =	sadd.s32 $0x8F2B, s0  }
0xbe: {  	[sflag:s0] =	ssyncadd.remote.s32 $0x1  }
0xbf: {  	_ =	sfence.sel $0xFFFF  }
0xc0: {  	[dreg:$0x0] =	wrdreg $0xFFFFFFFF;
	(pc) =	sbr.abs _section_cstart, $3  }
0xc1: {  	[dreg:$0x1] =	wrdreg $0xFFFFFFFF  }
0xc2: {  	_ =	task.clear_ibuf [dreg:s8], $0x2FFFF;
	_ =	strace $0x9FFFFFFF  }
0xc3: {  	(tm) =	ssettm $0x7FFFFFFF  }
tec
execute0_lowered:
.L_overlay_start_1:
0x0: {  	(tag) =	ssettag $0x1  }
0x1: {  	s1 =	srdreg.scid;
	s2 =	rddreg [dreg:$0x0]  }
0x2: {  	s0 =	stileid.u32;
	s3 =	rddreg [dreg:$0x1]  }
0x3: {  	s4 =	simm.s32 $0x0;
	s14 =	simm.s32 $0x4000;
	s15 =	simm.s32 $0x8000  }
0x4: {  	s16 =	simm.s32 $0x1;
	s17 =	simm.s32 $0xC000;
	s18 =	simm.s32 $0x2  }
0x5: {  	s19 =	simm.s32 $0x3;
	s20 =	simm.s32 $0x4;
	s21 =	simm.s32 $0x5  }
0x6: {  	s22 =	simm.s32 $0x6;
	s23 =	simm.s32 $0x7;
	s24 =	simm.s32 $0x8  }
0x7: {  	s25 =	simm.s32 $0x0;
	s1 =	sand.u32 $0x1, s1;
	s5 =	sshll.u32 s0, $0xB  }
0x8: {  	[smem:$0x7FF] =	sst s4;
	s6 =	sshll.u32 s1, $0xA;
	s1 =	ssub.s32 $0x2, s1  }
0x9: {  	v0 =	vlaneseq.u32;
	_ =	strace $0x80000047;
	s7 =	sor.u32 s6, s5;
	s28 =	sshrl.u32 s1, $0x1  }
.Ltmp0:
0xa: {  	v0 =	vmul.u32 $0x2, v0;
	s9 =	sshll.u32 s7, $0x8;
	s1 =	ssub.s32 s1, s28;
	(pc) =	sbr.rel .LBB2_1-.Ltmp0, $4  }
0xb: {  	s7 =	sshrl.u32 s7, $0x3;
	s5 =	sadd.s32 s2, s9;
	s31 =	smax.u32 s1, $0x1  }
0xc: {  	v1 =	vor.u32 $0x1, v0;
	s9 =	sadd.s32 s3, s9;
	s29 =	sadd.s32 $0x800, s5;
	[dreg:$0x5] =	wrdreg s31  }
0xd: {  	v2 =	vor.u32 $0x20, v0;
	v3 =	vor.u32 $0x21, v0;
	v4 =	vor.u32 $0x40, v0;
	s10 =	sor.u32 $0x4, s7;
	s30 =	sadd.s32 $0x1000, s5;
	[dreg:$0x3] =	wrdreg s29  }
0xe: {  	v5 =	vor.u32 $0x41, v0;
	v6 =	vor.u32 $0x60, v0;
	v7 =	vor.u32 $0x61, v0;
	s11 =	sor.u32 $0x5, s7;
	s12 =	sor.u32 $0x6, s7;
	[dreg:$0x4] =	wrdreg s30  }
.LBB2_12:
0xf: {  	_ =	swait.ge [sflag:s21], $0x4000  }
0x10: {  	[sflag:s21] =	ssyncset.done $0x0  }
0x11: {  	[sflag:s21] =	ssyncadd.s32 $0xFFFFC000  }
0x12: {  	_ =	swait.ge [sflag:s22], $0x4000  }
0x13: {  	[sflag:s22] =	ssyncset.done $0x0  }
0x14: {  	[sflag:s22] =	ssyncadd.s32 $0xFFFFC000  }
0x15: {  	_ =	swait.ge [sflag:s23], $0x4000  }
0x16: {  	[sflag:s23] =	ssyncset.done $0x0  }
0x17: {  	[sflag:s23] =	ssyncadd.s32 $0xFFFFC000  }
0x18: {  	_ =	swait.ge [sflag:s24], $0x4000  }
0x19: {  	s25 =	sadd.s32 $0x1, s25;
	s0 =	rddreg [dreg:$0x5]  }
0x1a: {  	p0 =	sne.s32 s25, s0  }
.Ltmp1:
0x1b: {  	_ = 	snop;
	(pc) =	sbr.rel @!p0 .LBB2_13-.Ltmp1, $3  }
0x1c: {  	_ =	sdelay $0x1  }
0x1d: {  	[sflag:s24] =	ssyncset.done $0x0  }
0x1e: {  	[sflag:s24] =	ssyncadd.s32 $0xFFFFC000  }
.LBB2_1:
0x1f: {  	[tilespmem:s4], [sflag:$0x1] =	stream.linear.gather [hbm4b:s5+s4], $0x4000, $0x38;
	[tilespmem:$0x10000] =	vst v63  }
0x20: {  	s0 =	rddreg [dreg:$0x3]  }
0x21: {  	[tilespmem:s14], [sflag:$0x2] =	stream.linear.gather [hbm4b:s0+s4], $0x4000, $0x38;
	[tilespmem:$0x10000] =	vst v63  }
0x22: {  	s31 =	rddreg [dreg:$0x4];
	s26 =	simm.s32 $0x0  }
0x23: {  	[tilespmem:s15], [sflag:$0x3] =	stream.linear.gather [hbm4b:s31+s4], $0x4000, $0x38;
	[tilespmem:$0x10000] =	vst v63  }
.LBB2_2:
0x24: {  	s1 =	simm.s32 $0x0  }
0x25: {  	s28 =	simm.s32 $0x0;
	s1 =	sand.u32 $0x700, s1  }
0x26: {  	v8 =	vmov s28;
	s29 =	sor.u32 $0xA0, s1  }
0x27: {  	v9 =	vmov s1;
	s28 =	sor.u32 $0x80, s1;
	v8 =	vshll.u32 v8, $0x7;
	v10 =	vmov s29  }
0x28: {  	s29 =	sor.u32 $0xE0, s1;
	s1 =	sor.u32 $0xC0, s1;
	v11 =	vmov s28;
	v8 =	vand.u32 $0x380, v8;
	v10 =	vshll.u32 v10, $0x3  }
0x29: {  	v9 =	vshll.u32 v9, $0x3;
	v13 =	vmov s1;
	v10 =	vand.u32 $0x3C00, v10  }
0x2a: {  	v12 =	vmov s29;
	v13 =	vshll.u32 v13, $0x3;
	v10 =	vor.u32 v8, v10  }
0x2b: {  	v11 =	vshll.u32 v11, $0x3;
	v13 =	vand.u32 $0x3C00, v13;
	v10 =	vbroadcast v10, $0x0  }
0x2c: {  	v12 =	vshll.u32 v12, $0x3;
	v11 =	vor.u32 v8, v11;
	v13 =	vor.u32 v8, v13  }
0x2d: {  	v12 =	vand.u32 $0x3C00, v12;
	v13 =	vbroadcast v13, $0x0;
	v15 =	vor.u32 v3, v10  }
0x2e: {  	v12 =	vor.u32 v8, v12;
	v8 =	vor.u32 v8, v9;
	v17 =	vor.u32 v2, v10  }
0x2f: {  	_ =	swait.ge [sflag:s16], $0x4000;
	v19 =	vbroadcast v8, $0x0;
	v18 =	vor.u32 v4, v13  }
0x30: {  	s31 =	simm.s32 $0x100;
	[sflag:s16] =	ssyncset.done $0x0;
	v20 =	vor.u32 v5, v13  }
0x31: {  	[sflag:s16] =	ssyncadd.s32 $0xFFFFC000;
	s28 =	simm.s32 $0x0;
	s1 =	sand.u32 $0x700, s31;
	v32 =	vor.u32 v3, v19  }
0x32: {  	v26 =	vmov s28;
	s29 =	sor.u32 $0xA0, s1;
	v16 =	vbroadcast v12, $0x0;
	v12 =	vor.u32 v7, v19;
	v21 =	vld.idx.msk [tilespmem:v15+s4+$0x0], $0xffff  }
0x33: {  	v11 =	vbroadcast v11, $0x0;
	v27 =	vmov s29;
	s29 =	sor.u32 $0x80, s1;
	v24 =	vor.u32 v6, v19;
	v23 =	vld.idx.msk [tilespmem:v17+s4+$0x0], $0xffff  }
0x34: {  	v31 =	vmov s29;
	v27 =	vshll.u32 v27, $0x3;
	v41 =	vor.u32 v2, v19;
	v25 =	vld.idx.msk [tilespmem:v18+s4+$0x0], $0xffff  }
0x35: {  	v8 =	vor.u32 v1, v11;
	v31 =	vshll.u32 v31, $0x3;
	v10 =	vor.u32 v7, v16;
	v28 =	vld.idx.msk [tilespmem:v20+s4+$0x0], $0xffff  }
0x36: {  	v9 =	vor.u32 v4, v19;
	v13 =	vor.u32 v0, v11;
	v29 =	vor.u32 v6, v16;
	v30 =	vld.idx.msk [tilespmem:v32+s4+$0x0], $0xffff  }
0x37: {  	s28 =	sor.u32 $0xE0, s1;
	v44 =	vor.u32 v0, v19;
	v14 =	vor.u32 v1, v19;
	v11 =	vor.u32 v5, v19;
	v45 =	vld.idx.msk [tilespmem:v12+s4+$0x0], $0xffff  }
0x38: {  	v19 =	vmov s1;
	v16 =	vshll.u32 v26, $0x7;
	v26 =	vmov s28;
	v46 =	vld.idx.msk [tilespmem:v24+s4+$0x0], $0xffff  }
0x39: {  	v26 =	vshll.u32 v26, $0x3;
	v19 =	vshll.u32 v19, $0x3;
	v35 =	vand.u32 $0x380, v16;
	v47 =	vld.idx.msk [tilespmem:v41+s4+$0x0], $0xffff  }
0x3a: {  	v27 =	vand.u32 $0x3C00, v27;
	s1 =	sor.u32 $0xC0, s1;
	v26 =	vand.u32 $0x3C00, v26;
	v19 =	vor.u32 v35, v19;
	v16 =	vld.idx.msk [tilespmem:v10+s4+$0x0], $0xffff  }
0x3b: {  	v33 =	vmov s1;
	v26 =	vor.u32 v35, v26;
	v48 =	vbroadcast v19, $0x0;
	v38 =	vld.idx.msk [tilespmem:v29+s4+$0x0], $0xffff  }
0x3c: {  	v31 =	vor.u32 v35, v31;
	v27 =	vor.u32 v35, v27;
	v22 =	vld.idx.msk [tilespmem:v8+s4+$0x0], $0xffff;
	v36 =	vbroadcast v26, $0x0  }
0x3d: {  	v26 =	vbroadcast v31, $0x0;
	v39 =	vld.idx.msk [tilespmem:v44+s4+$0x0], $0xffff;
	v31 =	vor.u32 v4, v48;
	v34 =	vmin.f32 v23, v21  }
0x3e: {  	v42 =	vld.idx.msk [tilespmem:v9+s4+$0x0], $0xffff;
	v21 =	vmax.f32 v23, v21;
	v23 =	vshll.u32 v33, $0x3;
	v37 =	vmax.f32 v25, v28  }
0x3f: {  	[tilespmem:v17+s4+$0x0] =	vst.idx.msk $0xffff, v34;
	v40 =	vmin.f32 v46, v45;
	v17 =	vbroadcast v27, $0x0;
	v49 =	vmax.f32 v47, v30  }
0x40: {  	v33 =	vand.u32 $0x3C00, v23;
	v27 =	vmin.f32 v38, v16;
	[tilespmem:v15+s4+$0x0] =	vst.idx.msk $0xffff, v21;
	v15 =	vmin.f32 v25, v28  }
0x41: {  	v43 =	vld.idx.msk [tilespmem:v11+s4+$0x0], $0xffff;
	v33 =	vor.u32 v35, v33;
	[tilespmem:v18+s4+$0x0] =	vst.idx.msk $0xffff, v15;
	v18 =	vor.u32 v3, v17  }
0x42: {  	v45 =	vmax.f32 v46, v45;
	[tilespmem:v24+s4+$0x0] =	vst.idx.msk $0xffff, v40;
	v33 =	vbroadcast v33, $0x0;
	v21 =	vor.u32 v2, v17  }
0x43: {  	v34 =	vld.idx.msk [tilespmem:v14+s4+$0x0], $0xffff;
	v25 =	vor.u32 v7, v36;
	[tilespmem:v20+s4+$0x0] =	vst.idx.msk $0xffff, v37;
	v20 =	vor.u32 v1, v26  }
0x44: {  	v23 =	vld.idx.msk [tilespmem:v13+s4+$0x0], $0xffff;
	v35 =	vor.u32 v7, v48;
	[tilespmem:v29+s4+$0x0] =	vst.idx.msk $0xffff, v27;
	v15 =	vor.u32 v4, v33  }
0x45: {  	v27 =	vor.u32 v0, v26;
	v24 =	vmin.f32 v47, v30;
	v29 =	vor.u32 v0, v48  }
0x46: {  	v17 =	vor.u32 v6, v48;
	[tilespmem:v41+s4+$0x0] =	vst.idx.msk $0xffff, v24;
	v37 =	vor.u32 v3, v48;
	v40 =	vld.idx.msk [tilespmem:v18+s4+$0x0], $0xffff  }
0x47: {  	v24 =	vor.u32 v5, v48;
	v26 =	vor.u32 v1, v48;
	v19 =	vor.u32 v5, v33;
	v41 =	vld.idx.msk [tilespmem:v21+s4+$0x0], $0xffff  }
0x48: {  	[tilespmem:v32+s4+$0x0] =	vst.idx.msk $0xffff, v49;
	v33 =	vor.u32 v2, v48;
	v63 =	vmin.f32 v39, v34;
	v32 =	vld.idx.msk [tilespmem:v20+s4+$0x0], $0xffff  }
0x49: {  	s29 =	simm.s32 $0x200;
	s28 =	simm.s32 $0x8;
	v28 =	vmax.f32 v23, v22;
	[tilespmem:v44+s4+$0x0] =	vst.idx.msk $0xffff, v63;
	v44 =	vmax.f32 v42, v43;
	v30 =	vld.idx.msk [tilespmem:v15+s4+$0x0], $0xffff  }
.LBB2_3:
0x4a: {  	s28 =	sadd.s32 $0x8, s28;
	s1 =	sand.u32 $0x700, s29;
	v34 =	vmax.f32 v39, v34;
	[tilespmem:v12+s4+$0x0] =	vst.idx.msk $0xffff, v45;
	v47 =	vmax.f32 v38, v16;
	v16 =	vld.idx.msk [tilespmem:v25+s4+$0x0], $0xffff  }
0x4b: {  	v39 =	vmin.f32 v42, v43;
	v22 =	vmin.f32 v23, v22;
	s30 =	sshrl.u32 s28, $0x6;
	v38 =	vmov s1;
	s31 =	sor.u32 $0x80, s1;
	s0 =	sor.u32 $0xA0, s1;
	v45 =	vld.idx.msk [tilespmem:v37+s4+$0x0], $0xffff;
	[tilespmem:v10+s4+$0x0] =	vst.idx.msk $0xffff, v47  }
0x4c: {  	v46 =	vor.u32 v6, v36;
	v12 =	vmovc v35;
	p0 =	slt.u32 s28, $0x1F8;
	v10 =	vmovc v25;
	v23 =	vmov s30;
	v42 =	vmov s0;
	s0 =	sor.u32 $0xC0, s1;
	s1 =	sor.u32 $0xE0, s1;
	v43 =	vld.idx.msk [tilespmem:v19+s4+$0x0], $0xffff;
	[tilespmem:v13+s4+$0x0] =	vst.idx.msk $0xffff, v22  }
0x4d: {  	v48 =	vmovc v33;
	v49 =	vmovc v37;
	v22 =	vshll.u32 v23, $0x7;
	v23 =	vmov s31;
	v52 =	vmov s1;
	v47 =	vld.idx.msk [tilespmem:v35+s4+$0x0], $0xffff;
	[tilespmem:v14+s4+$0x0] =	vst.idx.msk $0xffff, v34  }
0x4e: {  	v14 =	vmov s0;
	v25 =	vmin.f32 v41, v40;
	v34 =	vshll.u32 v52, $0x3;
	v50 =	vld.idx.msk [tilespmem:v17+s4+$0x0], $0xffff;
	[tilespmem:v9+s4+$0x0] =	vst.idx.msk $0xffff, v39;
	v9 =	vmovc v31  }
0x4f: {  	v13 =	vmovc v27;
	v35 =	vshll.u32 v42, $0x3;
	v31 =	vshll.u32 v38, $0x3;
	v36 =	vand.u32 $0x3C00, v34;
	v51 =	vld.idx.msk [tilespmem:v33+s4+$0x0], $0xffff;
	[tilespmem:v11+s4+$0x0] =	vst.idx.msk $0xffff, v44  }
0x50: {  	v37 =	vshll.u32 v23, $0x3;
	v33 =	vand.u32 $0x380, v22;
	v23 =	vld.idx.msk [tilespmem:v27+s4+$0x0], $0xffff;
	v27 =	vmax.f32 v41, v40;
	[tilespmem:v8+s4+$0x0] =	vst.idx.msk $0xffff, v28  }
0x51: {  	v44 =	vmovc v29;
	v28 =	vor.u32 v33, v31;
	v31 =	vshll.u32 v14, $0x3;
	v8 =	vmovc v20;
	v14 =	vmov v26;
	v34 =	vld.idx.msk [tilespmem:v26+s4+$0x0], $0xffff  }
0x52: {  	v11 =	vmovc v24;
	v20 =	vand.u32 $0x3C00, v35;
	v22 =	vmovc v32;
	v26 =	vand.u32 $0x3C00, v31;
	v39 =	vld.idx.msk [tilespmem:v29+s4+$0x0], $0xffff;
	v29 =	vmax.f32 v30, v43  }
0x53: {  	v24 =	vor.u32 v33, v37;
	v20 =	vor.u32 v33, v20;
	v26 =	vor.u32 v33, v26;
	v38 =	vld.idx.msk [tilespmem:v46+s4+$0x0], $0xffff  }
0x54: {  	v31 =	vor.u32 v33, v36;
	v26 =	vbroadcast v26, $0x0;
	v32 =	vmin.f32 v50, v47;
	[tilespmem:v21+s4+$0x0] =	vst.idx.msk $0xffff, v25  }
0x55: {  	v20 =	vbroadcast v20, $0x0;
	v36 =	vbroadcast v31, $0x0;
	[tilespmem:v18+s4+$0x0] =	vst.idx.msk $0xffff, v27;
	v18 =	vmin.f32 v30, v43  }
0x56: {  	v41 =	vbroadcast v28, $0x0;
	v24 =	vbroadcast v24, $0x0;
	v52 =	vmax.f32 v51, v45;
	[tilespmem:v15+s4+$0x0] =	vst.idx.msk $0xffff, v18  }
0x57: {  	v18 =	vor.u32 v3, v20;
	v15 =	vor.u32 v4, v26;
	[tilespmem:v19+s4+$0x0] =	vst.idx.msk $0xffff, v29  }
0x58: {  	v21 =	vor.u32 v2, v20;
	v25 =	vor.u32 v7, v36;
	v28 =	vmax.f32 v23, v22;
	v42 =	vld.idx.msk [tilespmem:v9+s4+$0x0], $0xffff  }
0x59: {  	v20 =	vor.u32 v1, v24;
	v19 =	vor.u32 v5, v26;
	v26 =	vmin.f32 v38, v16;
	v43 =	vld.idx.msk [tilespmem:v11+s4+$0x0], $0xffff  }
0x5a: {  	v35 =	vor.u32 v7, v41;
	[tilespmem:v17+s4+$0x0] =	vst.idx.msk $0xffff, v32;
	v17 =	vor.u32 v6, v41  }
.Ltmp2:
0x5b: {  	v33 =	vor.u32 v2, v41;
	v37 =	vor.u32 v3, v41;
	[tilespmem:v46+s4+$0x0] =	vst.idx.msk $0xffff, v26;
	(pc) =	sbr.rel @p0 .LBB2_3-.Ltmp2, $4  }
0x5c: {  	v31 =	vor.u32 v4, v41;
	v27 =	vor.u32 v0, v24;
	v24 =	vmin.f32 v51, v45;
	v40 =	vld.idx.msk [tilespmem:v18+s4+$0x0], $0xffff  }
0x5d: {  	v29 =	vor.u32 v0, v41;
	v26 =	vor.u32 v1, v41;
	v30 =	vld.idx.msk [tilespmem:v15+s4+$0x0], $0xffff;
	[tilespmem:v48+s4+$0x0] =	vst.idx.msk $0xffff, v24  }
0x5e: {  	v45 =	vmin.f32 v39, v34;
	v24 =	vor.u32 v5, v41;
	v41 =	vld.idx.msk [tilespmem:v21+s4+$0x0], $0xffff;
	[tilespmem:v49+s4+$0x0] =	vst.idx.msk $0xffff, v52  }
0x5f: {  	s29 =	sadd.s32 $0x100, s29;
	v32 =	vld.idx.msk [tilespmem:v20+s4+$0x0], $0xffff;
	[tilespmem:v44+s4+$0x0] =	vst.idx.msk $0xffff, v45;
	v44 =	vmax.f32 v42, v43;
	v45 =	vmax.f32 v50, v47  }
0x60: {  	_ =	sdelay $0x3  }
0x61: {  	[tilespmem:v12+s4+$0x0] =	vst.idx.msk $0xffff, v45;
	v12 =	vmax.f32 v38, v16  }
0x62: {  	v16 =	vld.idx.msk [tilespmem:v25+s4+$0x0], $0xffff;
	v22 =	vmin.f32 v23, v22;
	[tilespmem:v10+s4+$0x0] =	vst.idx.msk $0xffff, v12;
	v10 =	vor.u32 v6, v36  }
0x63: {  	v23 =	vld.idx.msk [tilespmem:v37+s4+$0x0], $0xffff;
	v12 =	vmax.f32 v39, v34;
	[tilespmem:v13+s4+$0x0] =	vst.idx.msk $0xffff, v22  }
0x64: {  	v13 =	vmin.f32 v42, v43;
	v22 =	vld.idx.msk [tilespmem:v19+s4+$0x0], $0xffff;
	[tilespmem:v14+s4+$0x0] =	vst.idx.msk $0xffff, v12  }
0x65: {  	v12 =	vld.idx.msk [tilespmem:v35+s4+$0x0], $0xffff;
	[tilespmem:v9+s4+$0x0] =	vst.idx.msk $0xffff, v13  }
0x66: {  	v9 =	vld.idx.msk [tilespmem:v17+s4+$0x0], $0xffff;
	[tilespmem:v8+s4+$0x0] =	vst.idx.msk $0xffff, v28  }
0x67: {  	[tilespmem:v11+s4+$0x0] =	vst.idx.msk $0xffff, v44;
	v11 =	vmin.f32 v41, v40;
	v8 =	vld.idx.msk [tilespmem:v10+s4+$0x0], $0xffff  }
0x68: {  	v13 =	vld.idx.msk [tilespmem:v33+s4+$0x0], $0xffff;
	v14 =	vmax.f32 v41, v40;
	[tilespmem:v21+s4+$0x0] =	vst.idx.msk $0xffff, v11  }
0x69: {  	v11 =	vld.idx.msk [tilespmem:v26+s4+$0x0], $0xffff;
	[tilespmem:v18+s4+$0x0] =	vst.idx.msk $0xffff, v14;
	v14 =	vmin.f32 v30, v22  }
0x6a: {  	v18 =	vld.idx.msk [tilespmem:v29+s4+$0x0], $0xffff;
	v21 =	vmax.f32 v30, v22;
	[tilespmem:v15+s4+$0x0] =	vst.idx.msk $0xffff, v14  }
0x6b: {  	v14 =	vmin.f32 v9, v12;
	[tilespmem:v19+s4+$0x0] =	vst.idx.msk $0xffff, v21  }
0x6c: {  	[tilespmem:v17+s4+$0x0] =	vst.idx.msk $0xffff, v14;
	v14 =	vld.idx.msk [tilespmem:v27+s4+$0x0], $0xffff;
	v15 =	vmin.f32 v8, v16  }
0x6d: {  	[tilespmem:v10+s4+$0x0] =	vst.idx.msk $0xffff, v15;
	v10 =	vmin.f32 v13, v23;
	v15 =	vld.idx.msk [tilespmem:v31+s4+$0x0], $0xffff  }
0x6e: {  	v9 =	vmax.f32 v9, v12;
	[tilespmem:v33+s4+$0x0] =	vst.idx.msk $0xffff, v10;
	v10 =	vld.idx.msk [tilespmem:v24+s4+$0x0], $0xffff  }
0x6f: {  	[tilespmem:v35+s4+$0x0] =	vst.idx.msk $0xffff, v9;
	v17 =	vmin.f32 v18, v11  }
0x70: {  	[tilespmem:v29+s4+$0x0] =	vst.idx.msk $0xffff, v17;
	v8 =	vmax.f32 v8, v16  }
0x71: {  	v9 =	vmin.f32 v14, v32;
	[tilespmem:v25+s4+$0x0] =	vst.idx.msk $0xffff, v8  }
0x72: {  	s8 =	simm.s32 $0x0;
	v8 =	vmax.f32 v18, v11;
	[tilespmem:v27+s4+$0x0] =	vst.idx.msk $0xffff, v9  }
0x73: {  	s1 =	sand.u32 $0x700, s8;
	[tilespmem:v26+s4+$0x0] =	vst.idx.msk $0xffff, v8;
	v9 =	vmin.f32 v15, v10  }
0x74: {  	s28 =	simm.s32 $0x0;
	s29 =	sor.u32 $0xA0, s1;
	v13 =	vmax.f32 v13, v23;
	v8 =	vmax.f32 v15, v10;
	[tilespmem:v31+s4+$0x0] =	vst.idx.msk $0xffff, v9  }
0x75: {  	s0 =	sshll.u32 s26, $0xD;
	v10 =	vmov s29;
	s29 =	sor.u32 $0xE0, s1;
	v9 =	vmax.f32 v14, v32;
	[tilespmem:v24+s4+$0x0] =	vst.idx.msk $0xffff, v8;
	v8 =	vmov s28  }
0x76: {  	p0 =	seq.s32 s26, $0x0;
	s13 =	sshllo.u32 s26, $0x2;
	s0 =	sadd.s32 s0, s9;
	[tilespmem:v37+s4+$0x0] =	vst.idx.msk $0xffff, v13;
	v12 =	vmov s29;
	v10 =	vshll.u32 v10, $0x3;
	v8 =	vshll.u32 v8, $0x7  }
0x77: {  	s29 =	simm.s32 @!p0 $0x8;
	[tilespmem:v20+s4+$0x0] =	vst.idx.msk $0xffff, v9;
	v9 =	vmov s1;
	s28 =	sor.u32 $0x80, s1;
	s1 =	sor.u32 $0xC0, s1;
	v10 =	vand.u32 $0x3C00, v10;
	v8 =	vand.u32 $0x380, v8  }
0x78: {  	v12 =	vshll.u32 v12, $0x3;
	[hbm4b:s0+s4] =	stream.linear.scatter [tilespmem:s4], [sflag:$0x5], $0x4000, $0x38;
	v10 =	vor.u32 v8, v10;
	[tilespmem:$0x10000] =	vst v63  }
0x79: {  	v13 =	vmov s1;
	s1 =	sadd.s32 s7, s13;
	v12 =	vand.u32 $0x3C00, v12;
	_ =	swait.ge @!p0 [sflag:s29], $0x4000;
	v10 =	vbroadcast v10, $0x0  }
0x7a: {  	v11 =	vmov s28;
	v13 =	vshll.u32 v13, $0x3;
	s28 =	sshll.u32 s1, $0xB;
	[sflag:s29] =	ssyncset.done @!p0 $0x0;
	v12 =	vor.u32 v8, v12  }
0x7b: {  	v13 =	vand.u32 $0x3C00, v13;
	s1 =	sadd.s32 s2, s28;
	[sflag:s29] =	ssyncadd.s32 @!p0 $0xFFFFC000;
	v16 =	vbroadcast v12, $0x0;
	v15 =	vor.u32 v3, v10  }
0x7c: {  	v9 =	vshll.u32 v9, $0x3;
	v13 =	vor.u32 v8, v13;
	[tilespmem:s17], [sflag:$0x4] =	stream.linear.gather [hbm4b:s1+s8], $0x4000, $0x38;
	v17 =	vor.u32 v2, v10;
	[tilespmem:$0x10000] =	vst v63  }
0x7d: {  	v11 =	vshll.u32 v11, $0x3;
	v13 =	vbroadcast v13, $0x0;
	_ =	swait.ge [sflag:s18], $0x4000;
	v10 =	vor.u32 v7, v16  }
0x7e: {  	v11 =	vor.u32 v8, v11;
	v8 =	vor.u32 v8, v9;
	v29 =	vor.u32 v6, v16;
	[sflag:s18] =	ssyncset.done $0x0  }
0x7f: {  	v19 =	vbroadcast v8, $0x0;
	s8 =	simm.s32 $0x0;
	v18 =	vor.u32 v4, v13;
	[sflag:s18] =	ssyncadd.s32 $0xFFFFC000  }
0x80: {  	s6 =	simm.s32 $0x100;
	v26 =	vmov s8;
	v20 =	vor.u32 v5, v13;
	v21 =	vld.idx.msk [tilespmem:v15+s14+$0x0], $0xffff  }
0x81: {  	s0 =	sand.u32 $0x700, s6;
	v54 =	vor.u32 v3, v19;
	v16 =	vshll.u32 v26, $0x7;
	v23 =	vld.idx.msk [tilespmem:v17+s14+$0x0], $0xffff  }
0x82: {  	v11 =	vbroadcast v11, $0x0;
	s29 =	sor.u32 $0xA0, s0;
	v12 =	vor.u32 v7, v19;
	v60 =	vand.u32 $0x380, v16;
	v16 =	vld.idx.msk [tilespmem:v10+s14+$0x0], $0xffff  }
0x83: {  	v27 =	vmov s29;
	s29 =	sor.u32 $0x80, s0;
	v24 =	vor.u32 v6, v19;
	v38 =	vld.idx.msk [tilespmem:v29+s14+$0x0], $0xffff  }
0x84: {  	v8 =	vor.u32 v1, v11;
	v31 =	vmov s29;
	v55 =	vor.u32 v2, v19;
	v25 =	vld.idx.msk [tilespmem:v18+s14+$0x0], $0xffff  }
0x85: {  	v27 =	vshll.u32 v27, $0x3;
	v9 =	vor.u32 v4, v19;
	v14 =	vor.u32 v1, v19;
	v28 =	vld.idx.msk [tilespmem:v20+s14+$0x0], $0xffff  }
0x86: {  	s13 =	sor.u32 $0xE0, s0;
	v13 =	vor.u32 v0, v11;
	v56 =	vor.u32 v0, v19;
	v11 =	vor.u32 v5, v19;
	v30 =	vld.idx.msk [tilespmem:v54+s14+$0x0], $0xffff  }
0x87: {  	v19 =	vmov s0;
	v26 =	vmov s13;
	v31 =	vshll.u32 v31, $0x3;
	v58 =	vld.idx.msk [tilespmem:v12+s14+$0x0], $0xffff  }
0x88: {  	s0 =	sor.u32 $0xC0, s0;
	v27 =	vand.u32 $0x3C00, v27;
	v26 =	vshll.u32 v26, $0x3;
	v19 =	vshll.u32 v19, $0x3;
	v46 =	vld.idx.msk [tilespmem:v24+s14+$0x0], $0xffff  }
0x89: {  	v57 =	vmov s0;
	v26 =	vand.u32 $0x3C00, v26;
	v19 =	vor.u32 v60, v19;
	v47 =	vld.idx.msk [tilespmem:v55+s14+$0x0], $0xffff  }
0x8a: {  	v31 =	vor.u32 v60, v31;
	v26 =	vor.u32 v60, v26;
	v48 =	vbroadcast v19, $0x0;
	v34 =	vld.idx.msk [tilespmem:v14+s14+$0x0], $0xffff  }
0x8b: {  	v27 =	vor.u32 v60, v27;
	v36 =	vbroadcast v26, $0x0;
	v26 =	vbroadcast v31, $0x0;
	v39 =	vld.idx.msk [tilespmem:v56+s14+$0x0], $0xffff  }
0x8c: {  	v42 =	vld.idx.msk [tilespmem:v9+s14+$0x0], $0xffff;
	v35 =	vor.u32 v7, v48;
	v37 =	vor.u32 v3, v48;
	v31 =	vor.u32 v4, v48  }
0x8d: {  	v43 =	vld.idx.msk [tilespmem:v11+s14+$0x0], $0xffff;
	v59 =	vmin.f32 v23, v21;
	v21 =	vmax.f32 v23, v21;
	v23 =	vshll.u32 v57, $0x3  }
0x8e: {  	v61 =	vmax.f32 v25, v28;
	[tilespmem:v17+s14+$0x0] =	vst.idx.msk $0xffff, v59;
	v62 =	vmin.f32 v46, v58;
	v17 =	vbroadcast v27, $0x0  }
0x8f: {  	v33 =	vand.u32 $0x3C00, v23;
	v49 =	vmax.f32 v47, v30;
	[tilespmem:v15+s14+$0x0] =	vst.idx.msk $0xffff, v21;
	v15 =	vmin.f32 v25, v28  }
0x90: {  	v33 =	vor.u32 v60, v33;
	[tilespmem:v18+s14+$0x0] =	vst.idx.msk $0xffff, v15;
	v18 =	vor.u32 v3, v17  }
0x91: {  	v27 =	vmin.f32 v38, v16;
	v33 =	vbroadcast v33, $0x0;
	v21 =	vor.u32 v2, v17  }
0x92: {  	v22 =	vld.idx.msk [tilespmem:v8+s14+$0x0], $0xffff;
	v63 =	vmin.f32 v39, v34;
	[tilespmem:v20+s14+$0x0] =	vst.idx.msk $0xffff, v61;
	v20 =	vor.u32 v1, v26  }
0x93: {  	v23 =	vld.idx.msk [tilespmem:v13+s14+$0x0], $0xffff;
	v44 =	vmax.f32 v42, v43;
	[tilespmem:v24+s14+$0x0] =	vst.idx.msk $0xffff, v62;
	v15 =	vor.u32 v4, v33  }
0x94: {  	v45 =	vmax.f32 v46, v58;
	v25 =	vor.u32 v7, v36;
	[tilespmem:v29+s14+$0x0] =	vst.idx.msk $0xffff, v27  }
0x95: {  	v27 =	vor.u32 v0, v26;
	v24 =	vmin.f32 v47, v30;
	v29 =	vor.u32 v0, v48;
	v40 =	vld.idx.msk [tilespmem:v18+s14+$0x0], $0xffff  }
0x96: {  	[tilespmem:v56+s14+$0x0] =	vst.idx.msk $0xffff, v63;
	v17 =	vor.u32 v6, v48;
	v19 =	vor.u32 v5, v33;
	v41 =	vld.idx.msk [tilespmem:v21+s14+$0x0], $0xffff  }
0x97: {  	[tilespmem:v55+s14+$0x0] =	vst.idx.msk $0xffff, v24;
	v24 =	vor.u32 v5, v48;
	v26 =	vor.u32 v1, v48;
	v32 =	vld.idx.msk [tilespmem:v20+s14+$0x0], $0xffff  }
0x98: {  	s30 =	simm.s32 $0x8;
	s31 =	simm.s32 $0x200;
	s29 =	sshll.u32 s26, $0x2;
	[tilespmem:v54+s14+$0x0] =	vst.idx.msk $0xffff, v49;
	v33 =	vor.u32 v2, v48;
	v28 =	vmax.f32 v23, v22;
	v30 =	vld.idx.msk [tilespmem:v15+s14+$0x0], $0xffff  }
.LBB2_5:
0x99: {  	s30 =	sadd.s32 $0x8, s30;
	s0 =	sand.u32 $0x700, s31;
	v34 =	vmax.f32 v39, v34;
	[tilespmem:v12+s14+$0x0] =	vst.idx.msk $0xffff, v45;
	v47 =	vmax.f32 v38, v16;
	v16 =	vld.idx.msk [tilespmem:v25+s14+$0x0], $0xffff  }
0x9a: {  	v39 =	vmin.f32 v42, v43;
	v22 =	vmin.f32 v23, v22;
	s1 =	sshrl.u32 s30, $0x6;
	v38 =	vmov s0;
	s6 =	sor.u32 $0x80, s0;
	s8 =	sor.u32 $0xA0, s0;
	v45 =	vld.idx.msk [tilespmem:v37+s14+$0x0], $0xffff;
	[tilespmem:v10+s14+$0x0] =	vst.idx.msk $0xffff, v47  }
0x9b: {  	v46 =	vor.u32 v6, v36;
	v12 =	vmovc v35;
	p0 =	slt.u32 s30, $0x1F8;
	v10 =	vmovc v25;
	v23 =	vmov s1;
	v42 =	vmov s8;
	s1 =	sor.u32 $0xC0, s0;
	s0 =	sor.u32 $0xE0, s0;
	v43 =	vld.idx.msk [tilespmem:v19+s14+$0x0], $0xffff;
	[tilespmem:v13+s14+$0x0] =	vst.idx.msk $0xffff, v22  }
0x9c: {  	v48 =	vmovc v33;
	v49 =	vmovc v37;
	v22 =	vshll.u32 v23, $0x7;
	v23 =	vmov s6;
	v52 =	vmov s0;
	v47 =	vld.idx.msk [tilespmem:v35+s14+$0x0], $0xffff;
	[tilespmem:v14+s14+$0x0] =	vst.idx.msk $0xffff, v34  }
0x9d: {  	v14 =	vmov s1;
	v25 =	vmin.f32 v41, v40;
	v34 =	vshll.u32 v52, $0x3;
	v50 =	vld.idx.msk [tilespmem:v17+s14+$0x0], $0xffff;
	[tilespmem:v9+s14+$0x0] =	vst.idx.msk $0xffff, v39;
	v9 =	vmovc v31  }
0x9e: {  	v13 =	vmovc v27;
	v35 =	vshll.u32 v42, $0x3;
	v31 =	vshll.u32 v38, $0x3;
	v36 =	vand.u32 $0x3C00, v34;
	v51 =	vld.idx.msk [tilespmem:v33+s14+$0x0], $0xffff;
	[tilespmem:v11+s14+$0x0] =	vst.idx.msk $0xffff, v44  }
0x9f: {  	v37 =	vshll.u32 v23, $0x3;
	v33 =	vand.u32 $0x380, v22;
	v23 =	vld.idx.msk [tilespmem:v27+s14+$0x0], $0xffff;
	v27 =	vmax.f32 v41, v40;
	[tilespmem:v8+s14+$0x0] =	vst.idx.msk $0xffff, v28  }
0xa0: {  	v44 =	vmovc v29;
	v28 =	vor.u32 v33, v31;
	v31 =	vshll.u32 v14, $0x3;
	v8 =	vmovc v20;
	v14 =	vmov v26;
	v34 =	vld.idx.msk [tilespmem:v26+s14+$0x0], $0xffff  }
0xa1: {  	v11 =	vmovc v24;
	v20 =	vand.u32 $0x3C00, v35;
	v22 =	vmovc v32;
	v26 =	vand.u32 $0x3C00, v31;
	v39 =	vld.idx.msk [tilespmem:v29+s14+$0x0], $0xffff;
	v29 =	vmax.f32 v30, v43  }
0xa2: {  	v24 =	vor.u32 v33, v37;
	v20 =	vor.u32 v33, v20;
	v26 =	vor.u32 v33, v26;
	v38 =	vld.idx.msk [tilespmem:v46+s14+$0x0], $0xffff  }
0xa3: {  	v31 =	vor.u32 v33, v36;
	v26 =	vbroadcast v26, $0x0;
	v32 =	vmin.f32 v50, v47;
	[tilespmem:v21+s14+$0x0] =	vst.idx.msk $0xffff, v25  }
0xa4: {  	v20 =	vbroadcast v20, $0x0;
	v36 =	vbroadcast v31, $0x0;
	[tilespmem:v18+s14+$0x0] =	vst.idx.msk $0xffff, v27;
	v18 =	vmin.f32 v30, v43  }
0xa5: {  	v41 =	vbroadcast v28, $0x0;
	v24 =	vbroadcast v24, $0x0;
	v52 =	vmax.f32 v51, v45;
	[tilespmem:v15+s14+$0x0] =	vst.idx.msk $0xffff, v18  }
0xa6: {  	v18 =	vor.u32 v3, v20;
	v15 =	vor.u32 v4, v26;
	[tilespmem:v19+s14+$0x0] =	vst.idx.msk $0xffff, v29  }
0xa7: {  	v21 =	vor.u32 v2, v20;
	v25 =	vor.u32 v7, v36;
	v28 =	vmax.f32 v23, v22;
	v42 =	vld.idx.msk [tilespmem:v9+s14+$0x0], $0xffff  }
0xa8: {  	v20 =	vor.u32 v1, v24;
	v19 =	vor.u32 v5, v26;
	v26 =	vmin.f32 v38, v16;
	v43 =	vld.idx.msk [tilespmem:v11+s14+$0x0], $0xffff  }
0xa9: {  	v35 =	vor.u32 v7, v41;
	[tilespmem:v17+s14+$0x0] =	vst.idx.msk $0xffff, v32;
	v17 =	vor.u32 v6, v41  }
.Ltmp3:
0xaa: {  	v33 =	vor.u32 v2, v41;
	v37 =	vor.u32 v3, v41;
	[tilespmem:v46+s14+$0x0] =	vst.idx.msk $0xffff, v26;
	(pc) =	sbr.rel @p0 .LBB2_5-.Ltmp3, $4  }
0xab: {  	v31 =	vor.u32 v4, v41;
	v27 =	vor.u32 v0, v24;
	v24 =	vmin.f32 v51, v45;
	v40 =	vld.idx.msk [tilespmem:v18+s14+$0x0], $0xffff  }
0xac: {  	v29 =	vor.u32 v0, v41;
	v26 =	vor.u32 v1, v41;
	v30 =	vld.idx.msk [tilespmem:v15+s14+$0x0], $0xffff;
	[tilespmem:v48+s14+$0x0] =	vst.idx.msk $0xffff, v24  }
0xad: {  	v45 =	vmin.f32 v39, v34;
	v24 =	vor.u32 v5, v41;
	v41 =	vld.idx.msk [tilespmem:v21+s14+$0x0], $0xffff;
	[tilespmem:v49+s14+$0x0] =	vst.idx.msk $0xffff, v52  }
0xae: {  	s31 =	sadd.s32 $0x100, s31;
	v32 =	vld.idx.msk [tilespmem:v20+s14+$0x0], $0xffff;
	[tilespmem:v44+s14+$0x0] =	vst.idx.msk $0xffff, v45;
	v44 =	vmax.f32 v42, v43;
	v45 =	vmax.f32 v50, v47  }
0xaf: {  	_ =	sdelay $0x3  }
0xb0: {  	[tilespmem:v12+s14+$0x0] =	vst.idx.msk $0xffff, v45;
	v12 =	vmax.f32 v38, v16  }
0xb1: {  	v16 =	vld.idx.msk [tilespmem:v25+s14+$0x0], $0xffff;
	v22 =	vmin.f32 v23, v22;
	[tilespmem:v10+s14+$0x0] =	vst.idx.msk $0xffff, v12  }
0xb2: {  	v23 =	vld.idx.msk [tilespmem:v37+s14+$0x0], $0xffff;
	v10 =	vor.u32 v6, v36;
	v12 =	vmax.f32 v39, v34;
	[tilespmem:v13+s14+$0x0] =	vst.idx.msk $0xffff, v22  }
0xb3: {  	v13 =	vmin.f32 v42, v43;
	v22 =	vld.idx.msk [tilespmem:v19+s14+$0x0], $0xffff;
	[tilespmem:v14+s14+$0x0] =	vst.idx.msk $0xffff, v12  }
0xb4: {  	v12 =	vld.idx.msk [tilespmem:v35+s14+$0x0], $0xffff;
	[tilespmem:v9+s14+$0x0] =	vst.idx.msk $0xffff, v13  }
0xb5: {  	v9 =	vld.idx.msk [tilespmem:v17+s14+$0x0], $0xffff;
	[tilespmem:v8+s14+$0x0] =	vst.idx.msk $0xffff, v28  }
0xb6: {  	v13 =	vld.idx.msk [tilespmem:v33+s14+$0x0], $0xffff;
	[tilespmem:v11+s14+$0x0] =	vst.idx.msk $0xffff, v44;
	v11 =	vmin.f32 v41, v40  }
0xb7: {  	v14 =	vmax.f32 v41, v40;
	[tilespmem:v21+s14+$0x0] =	vst.idx.msk $0xffff, v11;
	v8 =	vld.idx.msk [tilespmem:v10+s14+$0x0], $0xffff  }
0xb8: {  	v11 =	vld.idx.msk [tilespmem:v26+s14+$0x0], $0xffff;
	[tilespmem:v18+s14+$0x0] =	vst.idx.msk $0xffff, v14;
	v14 =	vmin.f32 v30, v22  }
0xb9: {  	v18 =	vld.idx.msk [tilespmem:v29+s14+$0x0], $0xffff;
	v21 =	vmax.f32 v30, v22;
	[tilespmem:v15+s14+$0x0] =	vst.idx.msk $0xffff, v14  }
0xba: {  	v14 =	vmin.f32 v9, v12;
	[tilespmem:v19+s14+$0x0] =	vst.idx.msk $0xffff, v21  }
0xbb: {  	v9 =	vmax.f32 v9, v12;
	[tilespmem:v17+s14+$0x0] =	vst.idx.msk $0xffff, v14  }
0xbc: {  	v14 =	vld.idx.msk [tilespmem:v27+s14+$0x0], $0xffff;
	[tilespmem:v35+s14+$0x0] =	vst.idx.msk $0xffff, v9;
	v15 =	vmin.f32 v8, v16  }
0xbd: {  	[tilespmem:v10+s14+$0x0] =	vst.idx.msk $0xffff, v15;
	v10 =	vmin.f32 v13, v23;
	v15 =	vld.idx.msk [tilespmem:v31+s14+$0x0], $0xffff  }
0xbe: {  	v17 =	vmin.f32 v18, v11;
	[tilespmem:v33+s14+$0x0] =	vst.idx.msk $0xffff, v10;
	v10 =	vld.idx.msk [tilespmem:v24+s14+$0x0], $0xffff  }
0xbf: {  	[tilespmem:v29+s14+$0x0] =	vst.idx.msk $0xffff, v17;
	v8 =	vmax.f32 v8, v16  }
0xc0: {  	v13 =	vmax.f32 v13, v23;
	[tilespmem:v25+s14+$0x0] =	vst.idx.msk $0xffff, v8  }
0xc1: {  	v9 =	vmin.f32 v14, v32;
	[tilespmem:v37+s14+$0x0] =	vst.idx.msk $0xffff, v13  }
0xc2: {  	v8 =	vmax.f32 v18, v11;
	[tilespmem:v27+s14+$0x0] =	vst.idx.msk $0xffff, v9  }
0xc3: {  	s0 =	sadd.s32 s29, s7;
	[tilespmem:v26+s14+$0x0] =	vst.idx.msk $0xffff, v8;
	v9 =	vmin.f32 v15, v10  }
0xc4: {  	s30 =	sshll.u32 s0, $0xB;
	v8 =	vmax.f32 v15, v10;
	[tilespmem:v31+s14+$0x0] =	vst.idx.msk $0xffff, v9  }
0xc5: {  	s0 =	sadd.s32 s3, s30;
	v9 =	vmax.f32 v14, v32;
	[tilespmem:v24+s14+$0x0] =	vst.idx.msk $0xffff, v8  }
0xc6: {  	s6 =	simm.s32 $0x0;
	s0 =	sadd.s32 $0x800, s0;
	[tilespmem:v20+s14+$0x0] =	vst.idx.msk $0xffff, v9  }
0xc7: {  	[hbm4b:s0+s4] =	stream.linear.scatter [tilespmem:s14], [sflag:$0x6], $0x4000, $0x38;
	[tilespmem:$0x10000] =	vst v63  }
0xc8: {  	s1 =	simm.s32 $0x0;
	s0 =	sand.u32 $0x700, s6  }
0xc9: {  	v8 =	vmov s1;
	s6 =	sor.u32 $0xA0, s0  }
0xca: {  	v8 =	vshll.u32 v8, $0x7;
	v9 =	vmov s0;
	s8 =	sor.u32 $0x80, s0;
	v10 =	vmov s6  }
0xcb: {  	s13 =	sor.u32 $0xE0, s0;
	s0 =	sor.u32 $0xC0, s0;
	v8 =	vand.u32 $0x380, v8;
	v11 =	vmov s8;
	v10 =	vshll.u32 v10, $0x3  }
0xcc: {  	p0 =	seq.s32 s26, $0x1F;
	v12 =	vmov s13;
	v13 =	vmov s0;
	v10 =	vand.u32 $0x3C00, v10  }
0xcd: {  	s1 =	sadd.s32 @!p0 s29, s10;
	s0 =	simm.s32 @!p0 $0x5;
	v9 =	vshll.u32 v9, $0x3;
	v13 =	vshll.u32 v13, $0x3;
	v10 =	vor.u32 v8, v10  }
0xce: {  	s1 =	sshll.u32 @!p0 s1, $0xB;
	v12 =	vshll.u32 v12, $0x3;
	_ =	swait.ge @!p0 [sflag:s0], $0x4000;
	v13 =	vand.u32 $0x3C00, v13;
	v10 =	vbroadcast v10, $0x0  }
0xcf: {  	s1 =	sand.u32 @!p0 $0x1FFFE000, s1;
	v11 =	vshll.u32 v11, $0x3;
	[sflag:s0] =	ssyncset.done @!p0 $0x0;
	v12 =	vand.u32 $0x3C00, v12;
	v13 =	vor.u32 v8, v13  }
0xd0: {  	v11 =	vor.u32 v8, v11;
	[sflag:s0] =	ssyncadd.s32 @!p0 $0xFFFFC000;
	s0 =	sadd.s32 @!p0 s2, s1;
	s1 =	simm.s32 @!p0 $0x0;
	v13 =	vbroadcast v13, $0x0;
	v15 =	vor.u32 v3, v10  }
0xd1: {  	v12 =	vor.u32 v8, v12;
	v8 =	vor.u32 v8, v9;
	[tilespmem:s1], [sflag:$0x1] =	stream.linear.gather @!p0 [hbm4b:s0+s1], $0x4000, $0x38;
	v17 =	vor.u32 v2, v10;
	[tilespmem:$0x10000] =	vst v63  }
0xd2: {  	v19 =	vbroadcast v8, $0x0;
	_ =	swait.ge [sflag:s19], $0x4000;
	v18 =	vor.u32 v4, v13  }
0xd3: {  	[sflag:s19] =	ssyncset.done $0x0;
	v20 =	vor.u32 v5, v13  }
0xd4: {  	v31 =	vor.u32 v3, v19;
	[sflag:s19] =	ssyncadd.s32 $0xFFFFC000  }
0xd5: {  	v11 =	vbroadcast v11, $0x0;
	v16 =	vbroadcast v12, $0x0;
	v12 =	vor.u32 v7, v19;
	v21 =	vld.idx.msk [tilespmem:v15+s15+$0x0], $0xffff  }
0xd6: {  	s8 =	simm.s32 $0x0;
	v24 =	vor.u32 v6, v19;
	v23 =	vld.idx.msk [tilespmem:v17+s15+$0x0], $0xffff  }
0xd7: {  	s6 =	simm.s32 $0x100;
	v26 =	vmov s8;
	v8 =	vor.u32 v1, v11;
	v54 =	vor.u32 v2, v19;
	v25 =	vld.idx.msk [tilespmem:v18+s15+$0x0], $0xffff  }
0xd8: {  	s0 =	sand.u32 $0x700, s6;
	v10 =	vor.u32 v7, v16;
	v9 =	vor.u32 v4, v19;
	v13 =	vor.u32 v0, v11;
	v28 =	vld.idx.msk [tilespmem:v20+s15+$0x0], $0xffff  }
0xd9: {  	s13 =	sor.u32 $0xA0, s0;
	v55 =	vor.u32 v0, v19;
	v14 =	vor.u32 v1, v19;
	v29 =	vor.u32 v6, v16;
	v30 =	vld.idx.msk [tilespmem:v31+s15+$0x0], $0xffff  }
0xda: {  	s8 =	sor.u32 $0xE0, s0;
	v11 =	vor.u32 v5, v19;
	v19 =	vmov s0;
	v27 =	vmov s13;
	s13 =	sor.u32 $0x80, s0;
	v58 =	vld.idx.msk [tilespmem:v12+s15+$0x0], $0xffff  }
0xdb: {  	s0 =	sor.u32 $0xC0, s0;
	v16 =	vshll.u32 v26, $0x7;
	v26 =	vmov s8;
	v56 =	vmov s13;
	v46 =	vld.idx.msk [tilespmem:v24+s15+$0x0], $0xffff  }
0xdc: {  	v57 =	vmov s0;
	v26 =	vshll.u32 v26, $0x3;
	v19 =	vshll.u32 v19, $0x3;
	v47 =	vld.idx.msk [tilespmem:v54+s15+$0x0], $0xffff  }
0xdd: {  	v27 =	vshll.u32 v27, $0x3;
	v60 =	vand.u32 $0x380, v16;
	v26 =	vand.u32 $0x3C00, v26;
	v16 =	vld.idx.msk [tilespmem:v10+s15+$0x0], $0xffff  }
0xde: {  	v32 =	vshll.u32 v56, $0x3;
	v19 =	vor.u32 v60, v19;
	v27 =	vand.u32 $0x3C00, v27;
	v38 =	vld.idx.msk [tilespmem:v29+s15+$0x0], $0xffff  }
0xdf: {  	v32 =	vor.u32 v60, v32;
	v26 =	vor.u32 v60, v26;
	v48 =	vbroadcast v19, $0x0;
	v34 =	vld.idx.msk [tilespmem:v14+s15+$0x0], $0xffff  }
0xe0: {  	v27 =	vor.u32 v60, v27;
	v36 =	vbroadcast v26, $0x0;
	v26 =	vbroadcast v32, $0x0;
	v39 =	vld.idx.msk [tilespmem:v55+s15+$0x0], $0xffff  }
0xe1: {  	v42 =	vld.idx.msk [tilespmem:v9+s15+$0x0], $0xffff;
	v35 =	vor.u32 v7, v48;
	v37 =	vor.u32 v3, v48;
	v32 =	vor.u32 v4, v48  }
0xe2: {  	v43 =	vld.idx.msk [tilespmem:v11+s15+$0x0], $0xffff;
	v59 =	vmin.f32 v23, v21;
	v21 =	vmax.f32 v23, v21;
	v23 =	vshll.u32 v57, $0x3  }
0xe3: {  	v61 =	vmax.f32 v25, v28;
	v62 =	vmin.f32 v46, v58;
	[tilespmem:v17+s15+$0x0] =	vst.idx.msk $0xffff, v59;
	v17 =	vbroadcast v27, $0x0  }
0xe4: {  	v49 =	vmax.f32 v47, v30;
	v33 =	vand.u32 $0x3C00, v23;
	[tilespmem:v15+s15+$0x0] =	vst.idx.msk $0xffff, v21;
	v15 =	vmin.f32 v25, v28  }
0xe5: {  	v33 =	vor.u32 v60, v33;
	[tilespmem:v18+s15+$0x0] =	vst.idx.msk $0xffff, v15;
	v18 =	vor.u32 v3, v17  }
0xe6: {  	v63 =	vmin.f32 v39, v34;
	v33 =	vbroadcast v33, $0x0;
	v21 =	vor.u32 v2, v17  }
0xe7: {  	v22 =	vld.idx.msk [tilespmem:v8+s15+$0x0], $0xffff;
	v44 =	vmax.f32 v42, v43;
	[tilespmem:v20+s15+$0x0] =	vst.idx.msk $0xffff, v61;
	v20 =	vor.u32 v1, v26  }
0xe8: {  	v45 =	vmax.f32 v46, v58;
	v23 =	vld.idx.msk [tilespmem:v13+s15+$0x0], $0xffff;
	[tilespmem:v24+s15+$0x0] =	vst.idx.msk $0xffff, v62;
	v15 =	vor.u32 v4, v33  }
0xe9: {  	v27 =	vmin.f32 v38, v16;
	[tilespmem:v55+s15+$0x0] =	vst.idx.msk $0xffff, v63;
	v25 =	vor.u32 v7, v36  }
0xea: {  	v24 =	vmin.f32 v47, v30;
	[tilespmem:v29+s15+$0x0] =	vst.idx.msk $0xffff, v27;
	v27 =	vor.u32 v0, v26;
	v40 =	vld.idx.msk [tilespmem:v18+s15+$0x0], $0xffff  }
0xeb: {  	v29 =	vor.u32 v0, v48;
	[tilespmem:v54+s15+$0x0] =	vst.idx.msk $0xffff, v24;
	v19 =	vor.u32 v5, v33;
	v41 =	vld.idx.msk [tilespmem:v21+s15+$0x0], $0xffff  }
0xec: {  	v24 =	vor.u32 v5, v48;
	v17 =	vor.u32 v6, v48;
	[tilespmem:v31+s15+$0x0] =	vst.idx.msk $0xffff, v49;
	v31 =	vld.idx.msk [tilespmem:v20+s15+$0x0], $0xffff  }
0xed: {  	s31 =	simm.s32 $0x8;
	s1 =	simm.s32 $0x200;
	v26 =	vor.u32 v1, v48;
	v33 =	vor.u32 v2, v48;
	v28 =	vmax.f32 v23, v22;
	v30 =	vld.idx.msk [tilespmem:v15+s15+$0x0], $0xffff  }
.LBB2_7:
0xee: {  	s31 =	sadd.s32 $0x8, s31;
	s0 =	sand.u32 $0x700, s1;
	v34 =	vmax.f32 v39, v34;
	[tilespmem:v12+s15+$0x0] =	vst.idx.msk $0xffff, v45;
	v47 =	vmax.f32 v38, v16;
	v16 =	vld.idx.msk [tilespmem:v25+s15+$0x0], $0xffff  }
0xef: {  	v39 =	vmin.f32 v42, v43;
	v22 =	vmin.f32 v23, v22;
	s6 =	sshrl.u32 s31, $0x6;
	v38 =	vmov s0;
	s8 =	sor.u32 $0x80, s0;
	s13 =	sor.u32 $0xA0, s0;
	v45 =	vld.idx.msk [tilespmem:v37+s15+$0x0], $0xffff;
	[tilespmem:v10+s15+$0x0] =	vst.idx.msk $0xffff, v47  }
0xf0: {  	v46 =	vor.u32 v6, v36;
	v12 =	vmovc v35;
	p1 =	slt.u32 s31, $0x1F8;
	v10 =	vmovc v25;
	v23 =	vmov s6;
	v42 =	vmov s13;
	s6 =	sor.u32 $0xC0, s0;
	s0 =	sor.u32 $0xE0, s0;
	v43 =	vld.idx.msk [tilespmem:v19+s15+$0x0], $0xffff;
	[tilespmem:v13+s15+$0x0] =	vst.idx.msk $0xffff, v22  }
0xf1: {  	v48 =	vmovc v33;
	v49 =	vmovc v37;
	v22 =	vshll.u32 v23, $0x7;
	v23 =	vmov s8;
	v52 =	vmov s0;
	v47 =	vld.idx.msk [tilespmem:v35+s15+$0x0], $0xffff;
	[tilespmem:v14+s15+$0x0] =	vst.idx.msk $0xffff, v34  }
0xf2: {  	v14 =	vmov s6;
	v25 =	vmin.f32 v41, v40;
	v34 =	vshll.u32 v52, $0x3;
	v50 =	vld.idx.msk [tilespmem:v17+s15+$0x0], $0xffff;
	[tilespmem:v9+s15+$0x0] =	vst.idx.msk $0xffff, v39;
	v9 =	vmovc v32  }
0xf3: {  	v13 =	vmovc v27;
	v35 =	vshll.u32 v42, $0x3;
	v32 =	vshll.u32 v38, $0x3;
	v36 =	vand.u32 $0x3C00, v34;
	v51 =	vld.idx.msk [tilespmem:v33+s15+$0x0], $0xffff;
	[tilespmem:v11+s15+$0x0] =	vst.idx.msk $0xffff, v44  }
0xf4: {  	v37 =	vshll.u32 v23, $0x3;
	v33 =	vand.u32 $0x380, v22;
	v23 =	vld.idx.msk [tilespmem:v27+s15+$0x0], $0xffff;
	v27 =	vmax.f32 v41, v40;
	[tilespmem:v8+s15+$0x0] =	vst.idx.msk $0xffff, v28  }
0xf5: {  	v44 =	vmovc v29;
	v28 =	vor.u32 v33, v32;
	v32 =	vshll.u32 v14, $0x3;
	v8 =	vmovc v20;
	v14 =	vmov v26;
	v34 =	vld.idx.msk [tilespmem:v26+s15+$0x0], $0xffff  }
0xf6: {  	v11 =	vmovc v24;
	v20 =	vand.u32 $0x3C00, v35;
	v22 =	vmovc v31;
	v26 =	vand.u32 $0x3C00, v32;
	v39 =	vld.idx.msk [tilespmem:v29+s15+$0x0], $0xffff;
	v29 =	vmax.f32 v30, v43  }
0xf7: {  	v24 =	vor.u32 v33, v37;
	v20 =	vor.u32 v33, v20;
	v26 =	vor.u32 v33, v26;
	v38 =	vld.idx.msk [tilespmem:v46+s15+$0x0], $0xffff  }
0xf8: {  	v31 =	vor.u32 v33, v36;
	v26 =	vbroadcast v26, $0x0;
	v32 =	vmin.f32 v50, v47;
	[tilespmem:v21+s15+$0x0] =	vst.idx.msk $0xffff, v25  }
0xf9: {  	v36 =	vbroadcast v31, $0x0;
	v20 =	vbroadcast v20, $0x0;
	[tilespmem:v18+s15+$0x0] =	vst.idx.msk $0xffff, v27;
	v18 =	vmin.f32 v30, v43  }
0xfa: {  	v31 =	vbroadcast v28, $0x0;
	v24 =	vbroadcast v24, $0x0;
	v52 =	vmax.f32 v51, v45;
	[tilespmem:v15+s15+$0x0] =	vst.idx.msk $0xffff, v18  }
0xfb: {  	v18 =	vor.u32 v3, v20;
	v15 =	vor.u32 v4, v26;
	[tilespmem:v19+s15+$0x0] =	vst.idx.msk $0xffff, v29  }
0xfc: {  	v21 =	vor.u32 v2, v20;
	v25 =	vor.u32 v7, v36;
	v28 =	vmax.f32 v23, v22;
	v42 =	vld.idx.msk [tilespmem:v9+s15+$0x0], $0xffff  }
0xfd: {  	v20 =	vor.u32 v1, v24;
	v19 =	vor.u32 v5, v26;
	v26 =	vmin.f32 v38, v16;
	v43 =	vld.idx.msk [tilespmem:v11+s15+$0x0], $0xffff  }
0xfe: {  	v35 =	vor.u32 v7, v31;
	[tilespmem:v17+s15+$0x0] =	vst.idx.msk $0xffff, v32;
	v17 =	vor.u32 v6, v31  }
.Ltmp4:
0xff: {  	v33 =	vor.u32 v2, v31;
	v37 =	vor.u32 v3, v31;
	[tilespmem:v46+s15+$0x0] =	vst.idx.msk $0xffff, v26;
	(pc) =	sbr.rel @p1 .LBB2_7-.Ltmp4, $4  }
0x100: {  	v27 =	vor.u32 v0, v24;
	v24 =	vmin.f32 v51, v45;
	v32 =	vor.u32 v4, v31;
	v40 =	vld.idx.msk [tilespmem:v18+s15+$0x0], $0xffff  }
0x101: {  	v29 =	vor.u32 v0, v31;
	v26 =	vor.u32 v1, v31;
	v30 =	vld.idx.msk [tilespmem:v15+s15+$0x0], $0xffff;
	[tilespmem:v48+s15+$0x0] =	vst.idx.msk $0xffff, v24  }
0x102: {  	v45 =	vmin.f32 v39, v34;
	v24 =	vor.u32 v5, v31;
	v41 =	vld.idx.msk [tilespmem:v21+s15+$0x0], $0xffff;
	[tilespmem:v49+s15+$0x0] =	vst.idx.msk $0xffff, v52  }
0x103: {  	s1 =	sadd.s32 $0x100, s1;
	v31 =	vld.idx.msk [tilespmem:v20+s15+$0x0], $0xffff;
	[tilespmem:v44+s15+$0x0] =	vst.idx.msk $0xffff, v45;
	v44 =	vmax.f32 v42, v43;
	v45 =	vmax.f32 v50, v47  }
0x104: {  	_ =	sdelay $0x3  }
0x105: {  	[tilespmem:v12+s15+$0x0] =	vst.idx.msk $0xffff, v45;
	v12 =	vmax.f32 v38, v16  }
0x106: {  	v16 =	vld.idx.msk [tilespmem:v25+s15+$0x0], $0xffff;
	v22 =	vmin.f32 v23, v22;
	[tilespmem:v10+s15+$0x0] =	vst.idx.msk $0xffff, v12  }
0x107: {  	v23 =	vld.idx.msk [tilespmem:v37+s15+$0x0], $0xffff;
	v10 =	vor.u32 v6, v36;
	v12 =	vmax.f32 v39, v34;
	[tilespmem:v13+s15+$0x0] =	vst.idx.msk $0xffff, v22  }
0x108: {  	v13 =	vmin.f32 v42, v43;
	v22 =	vld.idx.msk [tilespmem:v19+s15+$0x0], $0xffff;
	[tilespmem:v14+s15+$0x0] =	vst.idx.msk $0xffff, v12  }
0x109: {  	v12 =	vld.idx.msk [tilespmem:v35+s15+$0x0], $0xffff;
	[tilespmem:v9+s15+$0x0] =	vst.idx.msk $0xffff, v13  }
0x10a: {  	v9 =	vld.idx.msk [tilespmem:v17+s15+$0x0], $0xffff;
	[tilespmem:v8+s15+$0x0] =	vst.idx.msk $0xffff, v28  }
0x10b: {  	v13 =	vld.idx.msk [tilespmem:v33+s15+$0x0], $0xffff;
	[tilespmem:v11+s15+$0x0] =	vst.idx.msk $0xffff, v44;
	v11 =	vmin.f32 v41, v40  }
0x10c: {  	v14 =	vmax.f32 v41, v40;
	[tilespmem:v21+s15+$0x0] =	vst.idx.msk $0xffff, v11;
	v8 =	vld.idx.msk [tilespmem:v10+s15+$0x0], $0xffff  }
0x10d: {  	v11 =	vld.idx.msk [tilespmem:v26+s15+$0x0], $0xffff;
	[tilespmem:v18+s15+$0x0] =	vst.idx.msk $0xffff, v14;
	v14 =	vmin.f32 v30, v22  }
0x10e: {  	v18 =	vld.idx.msk [tilespmem:v29+s15+$0x0], $0xffff;
	v21 =	vmax.f32 v30, v22;
	[tilespmem:v15+s15+$0x0] =	vst.idx.msk $0xffff, v14  }
0x10f: {  	v14 =	vmin.f32 v9, v12;
	[tilespmem:v19+s15+$0x0] =	vst.idx.msk $0xffff, v21  }
0x110: {  	v9 =	vmax.f32 v9, v12;
	[tilespmem:v17+s15+$0x0] =	vst.idx.msk $0xffff, v14  }
0x111: {  	v14 =	vld.idx.msk [tilespmem:v27+s15+$0x0], $0xffff;
	[tilespmem:v35+s15+$0x0] =	vst.idx.msk $0xffff, v9;
	v15 =	vmin.f32 v8, v16  }
0x112: {  	[tilespmem:v10+s15+$0x0] =	vst.idx.msk $0xffff, v15;
	v10 =	vmin.f32 v13, v23;
	v15 =	vld.idx.msk [tilespmem:v32+s15+$0x0], $0xffff  }
0x113: {  	v17 =	vmin.f32 v18, v11;
	[tilespmem:v33+s15+$0x0] =	vst.idx.msk $0xffff, v10;
	v10 =	vld.idx.msk [tilespmem:v24+s15+$0x0], $0xffff  }
0x114: {  	[tilespmem:v29+s15+$0x0] =	vst.idx.msk $0xffff, v17;
	v8 =	vmax.f32 v8, v16  }
0x115: {  	v13 =	vmax.f32 v13, v23;
	[tilespmem:v25+s15+$0x0] =	vst.idx.msk $0xffff, v8  }
0x116: {  	v9 =	vmin.f32 v14, v31;
	[tilespmem:v37+s15+$0x0] =	vst.idx.msk $0xffff, v13  }
0x117: {  	v8 =	vmax.f32 v18, v11;
	[tilespmem:v27+s15+$0x0] =	vst.idx.msk $0xffff, v9  }
0x118: {  	[tilespmem:v26+s15+$0x0] =	vst.idx.msk $0xffff, v8;
	v9 =	vmin.f32 v15, v10  }
0x119: {  	s0 =	sadd.s32 $0x1000, s30;
	v8 =	vmax.f32 v15, v10;
	[tilespmem:v32+s15+$0x0] =	vst.idx.msk $0xffff, v9  }
0x11a: {  	s0 =	sand.u32 $0x1FFFF000, s0;
	v9 =	vmax.f32 v14, v31;
	[tilespmem:v24+s15+$0x0] =	vst.idx.msk $0xffff, v8  }
0x11b: {  	s8 =	simm.s32 $0x0;
	s0 =	sadd.s32 s3, s0;
	[tilespmem:v20+s15+$0x0] =	vst.idx.msk $0xffff, v9  }
0x11c: {  	[hbm4b:s0+s4] =	stream.linear.scatter [tilespmem:s15], [sflag:$0x7], $0x4000, $0x38;
	[tilespmem:$0x10000] =	vst v63  }
0x11d: {  	s1 =	simm.s32 $0x0;
	s0 =	sand.u32 $0x700, s8  }
0x11e: {  	v8 =	vmov s1;
	s6 =	sor.u32 $0xA0, s0  }
0x11f: {  	v8 =	vshll.u32 v8, $0x7;
	v9 =	vmov s0;
	s13 =	sor.u32 $0x80, s0;
	v10 =	vmov s6  }
0x120: {  	s31 =	sor.u32 $0xE0, s0;
	s0 =	sor.u32 $0xC0, s0;
	v8 =	vand.u32 $0x380, v8;
	v11 =	vmov s13;
	v10 =	vshll.u32 v10, $0x3  }
0x121: {  	v12 =	vmov s31;
	v13 =	vmov s0;
	v10 =	vand.u32 $0x3C00, v10  }
0x122: {  	s1 =	simm.s32 @!p0 $0x6;
	v9 =	vshll.u32 v9, $0x3;
	v13 =	vshll.u32 v13, $0x3;
	v10 =	vor.u32 v8, v10  }
0x123: {  	_ =	swait.ge @!p0 [sflag:s1], $0x4000;
	s0 =	sadd.s32 @!p0 s29, s11;
	v12 =	vshll.u32 v12, $0x3;
	v13 =	vand.u32 $0x3C00, v13;
	v10 =	vbroadcast v10, $0x0  }
0x124: {  	[sflag:s1] =	ssyncset.done @!p0 $0x0;
	s6 =	simm.s32 @!p0 $0x4000;
	s0 =	sshll.u32 @!p0 s0, $0xB;
	v11 =	vshll.u32 v11, $0x3;
	v12 =	vand.u32 $0x3C00, v12;
	v13 =	vor.u32 v8, v13  }
0x125: {  	[sflag:s1] =	ssyncadd.s32 @!p0 $0xFFFFC000;
	s1 =	simm.s32 @!p0 $0x0;
	s0 =	sadd.s32 @!p0 s2, s0;
	v11 =	vor.u32 v8, v11;
	v13 =	vbroadcast v13, $0x0;
	v15 =	vor.u32 v3, v10  }
0x126: {  	[tilespmem:s6], [sflag:$0x2] =	stream.linear.gather @!p0 [hbm4b:s0+s1], $0x4000, $0x38;
	v12 =	vor.u32 v8, v12;
	v8 =	vor.u32 v8, v9;
	v17 =	vor.u32 v2, v10;
	[tilespmem:$0x10000] =	vst v63  }
0x127: {  	_ =	swait.ge [sflag:s20], $0x4000;
	v19 =	vbroadcast v8, $0x0;
	v18 =	vor.u32 v4, v13  }
0x128: {  	[sflag:s20] =	ssyncset.done $0x0;
	v20 =	vor.u32 v5, v13  }
0x129: {  	[sflag:s20] =	ssyncadd.s32 $0xFFFFC000;
	v54 =	vor.u32 v3, v19  }
0x12a: {  	v11 =	vbroadcast v11, $0x0;
	v16 =	vbroadcast v12, $0x0;
	v12 =	vor.u32 v7, v19;
	v21 =	vld.idx.msk [tilespmem:v15+s17+$0x0], $0xffff  }
0x12b: {  	s6 =	simm.s32 $0x0;
	v24 =	vor.u32 v6, v19;
	v23 =	vld.idx.msk [tilespmem:v17+s17+$0x0], $0xffff  }
0x12c: {  	s1 =	simm.s32 $0x100;
	v26 =	vmov s6;
	v8 =	vor.u32 v1, v11;
	v55 =	vor.u32 v2, v19;
	v25 =	vld.idx.msk [tilespmem:v18+s17+$0x0], $0xffff  }
0x12d: {  	s0 =	sand.u32 $0x700, s1;
	v10 =	vor.u32 v7, v16;
	v9 =	vor.u32 v4, v19;
	v13 =	vor.u32 v0, v11;
	v28 =	vld.idx.msk [tilespmem:v20+s17+$0x0], $0xffff  }
0x12e: {  	s8 =	sor.u32 $0xA0, s0;
	v56 =	vor.u32 v0, v19;
	v14 =	vor.u32 v1, v19;
	v29 =	vor.u32 v6, v16;
	v30 =	vld.idx.msk [tilespmem:v54+s17+$0x0], $0xffff  }
0x12f: {  	s13 =	sor.u32 $0xE0, s0;
	s31 =	sor.u32 $0x80, s0;
	v11 =	vor.u32 v5, v19;
	v19 =	vmov s0;
	v27 =	vmov s8;
	v58 =	vld.idx.msk [tilespmem:v12+s17+$0x0], $0xffff  }
0x130: {  	s0 =	sor.u32 $0xC0, s0;
	v16 =	vshll.u32 v26, $0x7;
	v26 =	vmov s13;
	v31 =	vmov s31;
	v46 =	vld.idx.msk [tilespmem:v24+s17+$0x0], $0xffff  }
0x131: {  	v57 =	vmov s0;
	v26 =	vshll.u32 v26, $0x3;
	v19 =	vshll.u32 v19, $0x3;
	v47 =	vld.idx.msk [tilespmem:v55+s17+$0x0], $0xffff  }
0x132: {  	v27 =	vshll.u32 v27, $0x3;
	v60 =	vand.u32 $0x380, v16;
	v31 =	vshll.u32 v31, $0x3;
	v16 =	vld.idx.msk [tilespmem:v10+s17+$0x0], $0xffff  }
0x133: {  	v26 =	vand.u32 $0x3C00, v26;
	v19 =	vor.u32 v60, v19;
	v27 =	vand.u32 $0x3C00, v27;
	v38 =	vld.idx.msk [tilespmem:v29+s17+$0x0], $0xffff  }
0x134: {  	v31 =	vor.u32 v60, v31;
	v26 =	vor.u32 v60, v26;
	v48 =	vbroadcast v19, $0x0;
	v34 =	vld.idx.msk [tilespmem:v14+s17+$0x0], $0xffff  }
0x135: {  	v27 =	vor.u32 v60, v27;
	v36 =	vbroadcast v26, $0x0;
	v26 =	vbroadcast v31, $0x0;
	v39 =	vld.idx.msk [tilespmem:v56+s17+$0x0], $0xffff  }
0x136: {  	v42 =	vld.idx.msk [tilespmem:v9+s17+$0x0], $0xffff;
	v35 =	vor.u32 v7, v48;
	v37 =	vor.u32 v3, v48;
	v31 =	vor.u32 v4, v48  }
0x137: {  	v43 =	vld.idx.msk [tilespmem:v11+s17+$0x0], $0xffff;
	v59 =	vmin.f32 v23, v21;
	v21 =	vmax.f32 v23, v21;
	v23 =	vshll.u32 v57, $0x3  }
0x138: {  	v61 =	vmax.f32 v25, v28;
	v62 =	vmin.f32 v46, v58;
	[tilespmem:v17+s17+$0x0] =	vst.idx.msk $0xffff, v59;
	v17 =	vbroadcast v27, $0x0  }
0x139: {  	v49 =	vmax.f32 v47, v30;
	v33 =	vand.u32 $0x3C00, v23;
	[tilespmem:v15+s17+$0x0] =	vst.idx.msk $0xffff, v21;
	v15 =	vmin.f32 v25, v28  }
0x13a: {  	v33 =	vor.u32 v60, v33;
	[tilespmem:v18+s17+$0x0] =	vst.idx.msk $0xffff, v15;
	v18 =	vor.u32 v3, v17  }
0x13b: {  	v63 =	vmin.f32 v39, v34;
	v33 =	vbroadcast v33, $0x0;
	v21 =	vor.u32 v2, v17  }
0x13c: {  	v22 =	vld.idx.msk [tilespmem:v8+s17+$0x0], $0xffff;
	v44 =	vmax.f32 v42, v43;
	[tilespmem:v20+s17+$0x0] =	vst.idx.msk $0xffff, v61;
	v20 =	vor.u32 v1, v26  }
0x13d: {  	v45 =	vmax.f32 v46, v58;
	v23 =	vld.idx.msk [tilespmem:v13+s17+$0x0], $0xffff;
	[tilespmem:v24+s17+$0x0] =	vst.idx.msk $0xffff, v62;
	v15 =	vor.u32 v4, v33  }
0x13e: {  	v27 =	vmin.f32 v38, v16;
	[tilespmem:v56+s17+$0x0] =	vst.idx.msk $0xffff, v63;
	v25 =	vor.u32 v7, v36  }
0x13f: {  	v24 =	vmin.f32 v47, v30;
	[tilespmem:v29+s17+$0x0] =	vst.idx.msk $0xffff, v27;
	v27 =	vor.u32 v0, v26;
	v40 =	vld.idx.msk [tilespmem:v18+s17+$0x0], $0xffff  }
0x140: {  	v29 =	vor.u32 v0, v48;
	[tilespmem:v55+s17+$0x0] =	vst.idx.msk $0xffff, v24;
	v19 =	vor.u32 v5, v33;
	v41 =	vld.idx.msk [tilespmem:v21+s17+$0x0], $0xffff  }
0x141: {  	v24 =	vor.u32 v5, v48;
	v17 =	vor.u32 v6, v48;
	[tilespmem:v54+s17+$0x0] =	vst.idx.msk $0xffff, v49;
	v32 =	vld.idx.msk [tilespmem:v20+s17+$0x0], $0xffff  }
0x142: {  	s30 =	simm.s32 $0x8;
	s1 =	simm.s32 $0x200;
	v26 =	vor.u32 v1, v48;
	v33 =	vor.u32 v2, v48;
	v28 =	vmax.f32 v23, v22;
	v30 =	vld.idx.msk [tilespmem:v15+s17+$0x0], $0xffff  }
.LBB2_9:
0x143: {  	s30 =	sadd.s32 $0x8, s30;
	s0 =	sand.u32 $0x700, s1;
	v34 =	vmax.f32 v39, v34;
	[tilespmem:v12+s17+$0x0] =	vst.idx.msk $0xffff, v45;
	v47 =	vmax.f32 v38, v16;
	v16 =	vld.idx.msk [tilespmem:v25+s17+$0x0], $0xffff  }
0x144: {  	v39 =	vmin.f32 v42, v43;
	v22 =	vmin.f32 v23, v22;
	s6 =	sshrl.u32 s30, $0x6;
	v38 =	vmov s0;
	s8 =	sor.u32 $0x80, s0;
	s13 =	sor.u32 $0xA0, s0;
	v45 =	vld.idx.msk [tilespmem:v37+s17+$0x0], $0xffff;
	[tilespmem:v10+s17+$0x0] =	vst.idx.msk $0xffff, v47  }
0x145: {  	v46 =	vor.u32 v6, v36;
	v12 =	vmovc v35;
	p1 =	slt.u32 s30, $0x1F8;
	v10 =	vmovc v25;
	v23 =	vmov s6;
	v42 =	vmov s13;
	s6 =	sor.u32 $0xC0, s0;
	s0 =	sor.u32 $0xE0, s0;
	v43 =	vld.idx.msk [tilespmem:v19+s17+$0x0], $0xffff;
	[tilespmem:v13+s17+$0x0] =	vst.idx.msk $0xffff, v22  }
0x146: {  	v48 =	vmovc v33;
	v49 =	vmovc v37;
	v22 =	vshll.u32 v23, $0x7;
	v23 =	vmov s8;
	v52 =	vmov s0;
	v47 =	vld.idx.msk [tilespmem:v35+s17+$0x0], $0xffff;
	[tilespmem:v14+s17+$0x0] =	vst.idx.msk $0xffff, v34  }
0x147: {  	v14 =	vmov s6;
	v25 =	vmin.f32 v41, v40;
	v34 =	vshll.u32 v52, $0x3;
	v50 =	vld.idx.msk [tilespmem:v17+s17+$0x0], $0xffff;
	[tilespmem:v9+s17+$0x0] =	vst.idx.msk $0xffff, v39;
	v9 =	vmovc v31  }
0x148: {  	v13 =	vmovc v27;
	v35 =	vshll.u32 v42, $0x3;
	v31 =	vshll.u32 v38, $0x3;
	v36 =	vand.u32 $0x3C00, v34;
	v51 =	vld.idx.msk [tilespmem:v33+s17+$0x0], $0xffff;
	[tilespmem:v11+s17+$0x0] =	vst.idx.msk $0xffff, v44  }
0x149: {  	v37 =	vshll.u32 v23, $0x3;
	v33 =	vand.u32 $0x380, v22;
	v23 =	vld.idx.msk [tilespmem:v27+s17+$0x0], $0xffff;
	v27 =	vmax.f32 v41, v40;
	[tilespmem:v8+s17+$0x0] =	vst.idx.msk $0xffff, v28  }
0x14a: {  	v44 =	vmovc v29;
	v28 =	vor.u32 v33, v31;
	v31 =	vshll.u32 v14, $0x3;
	v8 =	vmovc v20;
	v14 =	vmov v26;
	v34 =	vld.idx.msk [tilespmem:v26+s17+$0x0], $0xffff  }
0x14b: {  	v11 =	vmovc v24;
	v20 =	vand.u32 $0x3C00, v35;
	v22 =	vmovc v32;
	v26 =	vand.u32 $0x3C00, v31;
	v39 =	vld.idx.msk [tilespmem:v29+s17+$0x0], $0xffff;
	v29 =	vmax.f32 v30, v43  }
0x14c: {  	v24 =	vor.u32 v33, v37;
	v20 =	vor.u32 v33, v20;
	v26 =	vor.u32 v33, v26;
	v38 =	vld.idx.msk [tilespmem:v46+s17+$0x0], $0xffff  }
0x14d: {  	v31 =	vor.u32 v33, v36;
	v26 =	vbroadcast v26, $0x0;
	v32 =	vmin.f32 v50, v47;
	[tilespmem:v21+s17+$0x0] =	vst.idx.msk $0xffff, v25  }
0x14e: {  	v20 =	vbroadcast v20, $0x0;
	v36 =	vbroadcast v31, $0x0;
	[tilespmem:v18+s17+$0x0] =	vst.idx.msk $0xffff, v27;
	v18 =	vmin.f32 v30, v43  }
0x14f: {  	v41 =	vbroadcast v28, $0x0;
	v24 =	vbroadcast v24, $0x0;
	v52 =	vmax.f32 v51, v45;
	[tilespmem:v15+s17+$0x0] =	vst.idx.msk $0xffff, v18  }
0x150: {  	v18 =	vor.u32 v3, v20;
	v15 =	vor.u32 v4, v26;
	[tilespmem:v19+s17+$0x0] =	vst.idx.msk $0xffff, v29  }
0x151: {  	v21 =	vor.u32 v2, v20;
	v25 =	vor.u32 v7, v36;
	v28 =	vmax.f32 v23, v22;
	v42 =	vld.idx.msk [tilespmem:v9+s17+$0x0], $0xffff  }
0x152: {  	v20 =	vor.u32 v1, v24;
	v19 =	vor.u32 v5, v26;
	v26 =	vmin.f32 v38, v16;
	v43 =	vld.idx.msk [tilespmem:v11+s17+$0x0], $0xffff  }
0x153: {  	v35 =	vor.u32 v7, v41;
	[tilespmem:v17+s17+$0x0] =	vst.idx.msk $0xffff, v32;
	v17 =	vor.u32 v6, v41  }
.Ltmp5:
0x154: {  	v33 =	vor.u32 v2, v41;
	v37 =	vor.u32 v3, v41;
	[tilespmem:v46+s17+$0x0] =	vst.idx.msk $0xffff, v26;
	(pc) =	sbr.rel @p1 .LBB2_9-.Ltmp5, $4  }
0x155: {  	v31 =	vor.u32 v4, v41;
	v27 =	vor.u32 v0, v24;
	v24 =	vmin.f32 v51, v45;
	v40 =	vld.idx.msk [tilespmem:v18+s17+$0x0], $0xffff  }
0x156: {  	v29 =	vor.u32 v0, v41;
	v26 =	vor.u32 v1, v41;
	v30 =	vld.idx.msk [tilespmem:v15+s17+$0x0], $0xffff;
	[tilespmem:v48+s17+$0x0] =	vst.idx.msk $0xffff, v24  }
0x157: {  	v45 =	vmin.f32 v39, v34;
	v24 =	vor.u32 v5, v41;
	v41 =	vld.idx.msk [tilespmem:v21+s17+$0x0], $0xffff;
	[tilespmem:v49+s17+$0x0] =	vst.idx.msk $0xffff, v52  }
0x158: {  	s1 =	sadd.s32 $0x100, s1;
	v32 =	vld.idx.msk [tilespmem:v20+s17+$0x0], $0xffff;
	[tilespmem:v44+s17+$0x0] =	vst.idx.msk $0xffff, v45;
	v44 =	vmax.f32 v42, v43;
	v45 =	vmax.f32 v50, v47  }
0x159: {  	_ =	sdelay $0x3  }
0x15a: {  	v62 =	vmax.f32 v38, v16;
	v38 =	vmax.f32 v39, v34;
	v39 =	vld.idx.msk [tilespmem:v37+s17+$0x0], $0xffff  }
0x15b: {  	[tilespmem:v12+s17+$0x0] =	vst.idx.msk $0xffff, v45;
	v42 =	vmin.f32 v42, v43;
	v43 =	vld.idx.msk [tilespmem:v19+s17+$0x0], $0xffff  }
0x15c: {  	v22 =	vmin.f32 v23, v22;
	v45 =	vld.idx.msk [tilespmem:v35+s17+$0x0], $0xffff;
	[tilespmem:v10+s17+$0x0] =	vst.idx.msk $0xffff, v62  }
0x15d: {  	v46 =	vld.idx.msk [tilespmem:v17+s17+$0x0], $0xffff;
	[tilespmem:v13+s17+$0x0] =	vst.idx.msk $0xffff, v22  }
0x15e: {  	v48 =	vld.idx.msk [tilespmem:v33+s17+$0x0], $0xffff;
	[tilespmem:v14+s17+$0x0] =	vst.idx.msk $0xffff, v38  }
0x15f: {  	v50 =	vld.idx.msk [tilespmem:v26+s17+$0x0], $0xffff;
	[tilespmem:v9+s17+$0x0] =	vst.idx.msk $0xffff, v42  }
0x160: {  	v52 =	vld.idx.msk [tilespmem:v29+s17+$0x0], $0xffff;
	[tilespmem:v11+s17+$0x0] =	vst.idx.msk $0xffff, v44  }
0x161: {  	v56 =	vld.idx.msk [tilespmem:v27+s17+$0x0], $0xffff;
	[tilespmem:v8+s17+$0x0] =	vst.idx.msk $0xffff, v28;
	v47 =	vmin.f32 v41, v40  }
0x162: {  	v36 =	vor.u32 v6, v36;
	v58 =	vld.idx.msk [tilespmem:v31+s17+$0x0], $0xffff;
	v49 =	vmax.f32 v41, v40;
	[tilespmem:v21+s17+$0x0] =	vst.idx.msk $0xffff, v47  }
0x163: {  	v59 =	vld.idx.msk [tilespmem:v24+s17+$0x0], $0xffff;
	[tilespmem:v18+s17+$0x0] =	vst.idx.msk $0xffff, v49;
	v51 =	vmin.f32 v30, v43  }
0x164: {  	v54 =	vmin.f32 v46, v45;
	[tilespmem:v15+s17+$0x0] =	vst.idx.msk $0xffff, v51  }
0x165: {  	v57 =	vmin.f32 v48, v39;
	[tilespmem:v17+s17+$0x0] =	vst.idx.msk $0xffff, v54  }
0x166: {  	v63 =	vld.idx.msk [tilespmem:v25+s17+$0x0], $0xffff;
	v60 =	vmin.f32 v52, v50;
	[tilespmem:v33+s17+$0x0] =	vst.idx.msk $0xffff, v57  }
0x167: {  	v8 =	vld.idx.msk [tilespmem:v36+s17+$0x0], $0xffff;
	v61 =	vmin.f32 v56, v32;
	[tilespmem:v29+s17+$0x0] =	vst.idx.msk $0xffff, v60  }
0x168: {  	v62 =	vmin.f32 v58, v59;
	[tilespmem:v27+s17+$0x0] =	vst.idx.msk $0xffff, v61  }
0x169: {  	v53 =	vmax.f32 v30, v43;
	[tilespmem:v31+s17+$0x0] =	vst.idx.msk $0xffff, v62  }
0x16a: {  	v13 =	vmax.f32 v48, v39;
	[tilespmem:v19+s17+$0x0] =	vst.idx.msk $0xffff, v53  }
0x16b: {  	v9 =	vmax.f32 v46, v45;
	[tilespmem:v37+s17+$0x0] =	vst.idx.msk $0xffff, v13  }
0x16c: {  	[tilespmem:v35+s17+$0x0] =	vst.idx.msk $0xffff, v9;
	v55 =	vmin.f32 v8, v63  }
0x16d: {  	v8 =	vmax.f32 v8, v63;
	v63 =	vmax.f32 v56, v32;
	[tilespmem:v36+s17+$0x0] =	vst.idx.msk $0xffff, v55  }
.Ltmp6:
0x16e: {  	[tilespmem:v20+s17+$0x0] =	vst.idx.msk $0xffff, v63;
	(pc) =	sbr.rel @p0 .LBB2_12-.Ltmp6, $4  }
0x16f: {  	[tilespmem:v25+s17+$0x0] =	vst.idx.msk $0xffff, v8;
	v8 =	vmax.f32 v52, v50  }
0x170: {  	[tilespmem:v26+s17+$0x0] =	vst.idx.msk $0xffff, v8;
	v8 =	vmax.f32 v58, v59  }
0x171: {  	s0 =	sadd.s32 s3, s28;
	[tilespmem:v24+s17+$0x0] =	vst.idx.msk $0xffff, v8  }
0x172: {  	[hbm4b:s0+s4] =	stream.linear.scatter [tilespmem:s17], [sflag:$0x8], $0x4000, $0x38;
	[tilespmem:$0x10000] =	vst v63  }
.Ltmp7:
0x173: {  	s0 =	sadd.s32 s29, s12;
	(pc) =	sbr.rel .LBB2_2-.Ltmp7, $4  }
0x174: {  	_ =	swait.ge [sflag:s23], $0x4000;
	s0 =	sshll.u32 s0, $0xB  }
0x175: {  	[sflag:s23] =	ssyncset.done $0x0;
	s0 =	sand.u32 $0x1FFFF000, s0  }
0x176: {  	s26 =	sadd.s32 $0x1, s26;
	[sflag:s23] =	ssyncadd.s32 $0xFFFFC000;
	s0 =	sadd.s32 s2, s0  }
0x177: {  	[tilespmem:s15], [sflag:$0x3] =	stream.linear.gather [hbm4b:s0+s4], $0x4000, $0x38;
	[tilespmem:$0x10000] =	vst v63  }
.LBB2_13:
0x178: {  	_ =	sfence.sel $0x180000  }
0x179: {  	[bflag:$0x0] =	sbarrier.arrive $0xFFFF  }
0x17a: {  	_ =	strace $0x90000047  }
0x17b: {  	s0 =	stileid.u32;
	[bflag:$0x2] =	sbarrier.arrive $0xFFFF  }
0x17c: {  	p0 =	sne.s32 s0, $0x0;
	s0 =	rddreg [dreg:$0x2]  }
0x17d: {  	s0 =	sadd.s32 @!p0 $0x100000, s0  }
0x17e: {  	[sflag:s0] =	ssyncadd.tile.s32 @!p0 $0x1;
	_ =	shalt  }
.Lfunc_end2:
_tile_overlayer_lowered:
.L_overlay_start_2:
0x17f: {  	(tag) =	ssettag $0x2  }
0x180: {  	s0 =	rddreg [dreg:$0x0];
	s2 =	stileid.u32  }
0x181: {  	s1 =	rddreg [dreg:$0x1];
	p0 =	sne.s32 s2, $0x0  }
0x182: {  	s3 =	rddreg [dreg:$0x2];
	[bflag:$0x3] =	sbarrier.arrive $0xFFFF;
	s2 =	simm.s32 @!p0 $0x1C09  }
0x183: {  	[timem:s3], [sflag:s2] =	dma.local @!p0 [hbm:s0], s1  }
0x184: {  	s0 =	simm.s32 @!p0 $0x9  }
0x185: {  	_ =	swait.ge @!p0 [sflag:s0], s1  }
0x186: {  	s1 =	ssub.s32 @!p0 $0x0, s1;
	[sflag:s0] =	ssyncset.done @!p0 $0x0  }
0x187: {  	[sflag:s0] =	ssyncadd.s32 @!p0 s1  }
0x188: {  	[bflag:$0x3] =	sbarrier.arrive $0xFFFF  }
0x189: {  	_ =	shalt  }

</sc_bundles>
